<compile_context>
chip_gen: v7x
topology: tpu7x:2x2x1
jax: 0.10.2.dev20260603
libtpu: 0.0.44.dev20260713+nightly
codegen_flags: <defaults>
</compile_context>

<pallas_src>
import functools

import jax
import jax.numpy as jnp
from jax import lax
from jax.experimental import pallas as pl
from jax.experimental.pallas import tpu as pltpu
from jax.experimental.pallas import tpu_sc as plsc

N = 50000
D = 128
E = 150000
ODIM = 64

NC = 2
NS = 16
L = 16

CH = 128
CHT = 74
EP = NS * CHT * CH
NROWS = EP // CH

HN = 50176
HT = HN // NS

NBLK = 9
BLK = 5760
NP = NBLK * BLK
ACC_ROWS = 5888
AZT = ACC_ROWS // NS
WR = BLK // NS
GC = 64
NBUF = 4
CROWS = (CHT * CH + GC) // GC
ZR = 16

BLKTC = 2000
GRID = N // BLKTC


@functools.lru_cache(maxsize=None)
def _get_mesh():
    return plsc.VectorSubcoreMesh(core_axis_name="c", subcore_axis_name="s",
                                  num_cores=NC, num_subcores=NS)


def _zero_vmem_2d(ref, rows):
    zv = jnp.zeros((L,), jnp.float32)

    def body(i, _):
        r = i // (D // L)
        q = i % (D // L)
        ref[r, pl.ds(q * L, L)] = zv
        return 0

    lax.fori_loop(0, rows * (D // L), body, 0)


def _deg_body(e0, e1, e2, e3, e4, e5, e6, e7,
              o0, o1, o2, o3, o4, o5, o6, o7,
              h0, h1, h2, h3, idxb, onesb, zb, dsem):
    c = lax.axis_index("c")
    t = lax.axis_index("s")

    ov = jnp.full((L,), 1.0, jnp.float32)
    zv = jnp.zeros((L,), jnp.float32)

    def fill(i, _):
        onesb[pl.ds(i * L, L)] = ov
        return 0

    lax.fori_loop(0, CH // L, fill, 0)

    def zfill(i, _):
        zb[pl.ds(i * L, L)] = zv
        return 0

    lax.fori_loop(0, HT // L, zfill, 0)

    for h in (h0, h1, h2, h3):
        pltpu.sync_copy(zb, h.at[pl.ds(t * HT, HT)])
    plsc.subcore_barrier()

    def flow(es, os_):
        for k in range(4):
            pltpu.sync_copy(es[k].at[pl.ds(t * CHT, CHT)], idxb)
            hk = (h0, h1, h2, h3)[k]

            def body(j, _):
                pltpu.async_copy(onesb, hk.at[idxb.at[j, 0]], dsem, add=True)
                return 0

            lax.fori_loop(0, CHT, body, 0)

            def drain(j, _):
                pltpu.make_async_copy(onesb, hk.at[idxb.at[j, 0]], dsem).wait()
                return 0

            lax.fori_loop(0, CHT, drain, 0)
        plsc.subcore_barrier()
        for k in range(4):
            hk = (h0, h1, h2, h3)[k]
            pltpu.sync_copy(hk.at[pl.ds(t * HT, HT)], zb)
            pltpu.sync_copy(zb, os_[k].at[pl.ds(t * HT, HT)])

    @pl.when(c == 0)
    def _():
        flow((e0, e1, e2, e3), (o0, o1, o2, o3))

    @pl.when(c == 1)
    def _():
        flow((e4, e5, e6, e7), (o4, o5, o6, o7))


@jax.jit
def _deg_call(e0, e1, e2, e3, e4, e5, e6, e7):
    shp = jax.ShapeDtypeStruct((HN,), jnp.float32)
    return pl.kernel(
        _deg_body,
        out_type=[shp] * 8,
        mesh=_get_mesh(),
        scratch_types=[
            pltpu.VMEM_SHARED((HN,), jnp.float32),
            pltpu.VMEM_SHARED((HN,), jnp.float32),
            pltpu.VMEM_SHARED((HN,), jnp.float32),
            pltpu.VMEM_SHARED((HN,), jnp.float32),
            pltpu.VMEM((CHT, 1, CH), jnp.int32),
            pltpu.VMEM((CH,), jnp.float32),
            pltpu.VMEM((HT,), jnp.float32),
            pltpu.SemaphoreType.DMA,
        ],
        compiler_params=pltpu.CompilerParams(needs_layout_passes=False),
    )(e0, e1, e2, e3, e4, e5, e6, e7)


def _seg_body(hsa, pa, hsb, pb, oa, ob,
              acc, pckb, csrc2, cdst2, stage, zbuf, cntb, gsem, ssem, zsem):
    c = lax.axis_index("c")
    t = lax.axis_index("s")

    _zero_vmem_2d(zbuf, ZR)
    iot = lax.iota(jnp.int32, L)
    zidx = jnp.zeros((L,), jnp.int32)

    def flow(hs_ref, pck_ref, out_ref):
        pltpu.sync_copy(pck_ref.at[pl.ds(t * CHT, CHT)], pckb)

        def block_body(b, _):
            lo = b * BLK
            hi = jnp.minimum(lo + BLK, N)
            base = t * AZT
            nz = AZT // ZR
            zrem = AZT % ZR

            for q in range(nz):
                pltpu.async_copy(zbuf, acc.at[pl.ds(base + q * ZR, ZR)], zsem)
            if zrem:
                pltpu.async_copy(zbuf.at[pl.ds(0, zrem)],
                                 acc.at[pl.ds(base + nz * ZR, zrem)], zsem)

            def chunk(j, ptrv):
                for jj in range(CH // L):
                    pk = pckb[j, 0, pl.ds(jj * L, L)]
                    dv = lax.shift_right_logical(pk, 16)
                    sv = pk & 0xFFFF
                    m = (dv >= lo) & (dv < hi)
                    mi = m.astype(jnp.int32)
                    cs = plsc.cumsum(mi)
                    pos = ptrv + cs - mi
                    pr = pos // GC
                    pc = pos % GC
                    plsc.store_scatter(cdst2, [pr, zidx, pc], dv - lo, mask=m)
                    plsc.store_scatter(csrc2, [pr, zidx, pc], sv, mask=m)
                    ptrv = ptrv + plsc.all_reduce_population_count(m)
                return ptrv

            nlocv = lax.fori_loop(0, CHT, chunk, jnp.zeros((L,), jnp.int32))
            nloc = nlocv[0]

            scrapv = BLK + iot
            for q in range(GC // L):
                pp = lax.broadcast(nloc, (L,)) + (q * L + iot)
                plsc.store_scatter(cdst2, [pp // GC, zidx, pp % GC], scrapv)
                plsc.store_scatter(csrc2, [pp // GC, zidx, pp % GC], iot)
            n_g = (nloc + GC - 1) // GC

            for q in range(nz):
                pltpu.make_async_copy(
                    zbuf, acc.at[pl.ds(base + q * ZR, ZR)], zsem).wait()
            if zrem:
                pltpu.make_async_copy(
                    zbuf.at[pl.ds(0, zrem)],
                    acc.at[pl.ds(base + nz * ZR, zrem)], zsem).wait()
            plsc.subcore_barrier()

            def gstart(g, buf):
                pltpu.async_copy(
                    hs_ref.at[csrc2.at[g, 0]], stage.at[buf], gsem)

            def gwait(g, buf):
                pltpu.make_async_copy(
                    hs_ref.at[csrc2.at[g, 0]], stage.at[buf], gsem).wait()

            def sstart(g, buf):
                pltpu.async_copy(stage.at[buf], acc.at[cdst2.at[g, 0]], ssem,
                                 add=True)

            def swait(g, buf):
                pltpu.make_async_copy(
                    stage.at[buf], acc.at[cdst2.at[g, 0]], ssem).wait()

            for k in range(NBUF - 1):
                @pl.when(k < n_g)
                def _():
                    gstart(k, k)

            def gbody(g, _):
                buf = lax.rem(g, NBUF)
                gwait(g, buf)

                @pl.when(g >= 1)
                def _():
                    swait(g - 1, lax.rem(g - 1, NBUF))

                @pl.when(g + (NBUF - 1) < n_g)
                def _():
                    gstart(g + (NBUF - 1), lax.rem(g + (NBUF - 1), NBUF))

                sstart(g, buf)
                return 0

            lax.fori_loop(0, n_g, gbody, 0)

            @pl.when(n_g > 0)
            def _():
                swait(n_g - 1, lax.rem(n_g - 1, NBUF))
            plsc.subcore_barrier()

            wofs = pl.multiple_of(lo + t * WR, 8)
            pltpu.sync_copy(acc.at[pl.ds(t * WR, WR)],
                            out_ref.at[pl.ds(wofs, WR)])
            plsc.subcore_barrier()
            return 0

        lax.fori_loop(0, NBLK, block_body, 0)

    @pl.when(c == 0)
    def _():
        flow(hsa, pa, oa)

    @pl.when(c == 1)
    def _():
        flow(hsb, pb, ob)


@jax.jit
def _seg_call(hsa, pa, hsb, pb):
    shp = jax.ShapeDtypeStruct((NP, D), jnp.float32)
    return pl.kernel(
        _seg_body,
        out_type=[shp, shp],
        mesh=_get_mesh(),
        scratch_types=[
            pltpu.VMEM_SHARED((ACC_ROWS, D), jnp.float32),
            pltpu.VMEM((CHT, 1, CH), jnp.int32),
            pltpu.VMEM((CROWS, 1, GC), jnp.int32),
            pltpu.VMEM((CROWS, 1, GC), jnp.int32),
            pltpu.VMEM((NBUF, GC, D), jnp.float32),
            pltpu.VMEM((ZR, D), jnp.float32),
            pltpu.VMEM((L,), jnp.int32),
            pltpu.SemaphoreType.DMA,
            pltpu.SemaphoreType.DMA,
            pltpu.SemaphoreType.DMA,
        ],
        compiler_params=pltpu.CompilerParams(needs_layout_passes=False),
    )(hsa, pa, hsb, pb)


def _rsqd(ref):
    return lax.rsqrt(jnp.maximum(ref[...], 1.0))


def _tc1_body(feat, dga, dgb, wa, wb, oa, ob):
    x = feat[...]
    oa[...] = jnp.dot(x * _rsqd(dga), wa[...],
                      preferred_element_type=jnp.float32)
    ob[...] = jnp.dot(x * _rsqd(dgb), wb[...],
                      preferred_element_type=jnp.float32)


@jax.jit
def _tc1_call(feat, dga, dgb, wa, wb):
    blk = pl.BlockSpec((BLKTC, D), lambda i: (i, 0))
    col = pl.BlockSpec((BLKTC, 1), lambda i: (i, 0))
    wsp = pl.BlockSpec((D, D), lambda i: (0, 0))
    shp = jax.ShapeDtypeStruct((N, D), jnp.float32)
    return pl.pallas_call(
        _tc1_body,
        grid=(GRID,),
        in_specs=[blk, col, col, wsp, wsp],
        out_specs=[blk, blk],
        out_shape=[shp, shp],
    )(feat, dga, dgb, wa, wb)


def _leaky(x):
    return jnp.where(x >= 0, x, 0.01 * x)


def _tc2_body(ra, rb, dia, dib, doa, dob, ba, bb, wa, wb, oa, ob):
    ua = _leaky(ra[...] * _rsqd(dia) + ba[...])
    ub = _leaky(rb[...] * _rsqd(dib) + bb[...])
    oa[...] = jnp.dot(ua * _rsqd(doa), wa[...],
                      preferred_element_type=jnp.float32)
    ob[...] = jnp.dot(ub * _rsqd(dob), wb[...],
                      preferred_element_type=jnp.float32)


@jax.jit
def _tc2_call(ra, rb, dia, dib, doa, dob, ba, bb, wa, wb):
    blk = pl.BlockSpec((BLKTC, D), lambda i: (i, 0))
    col = pl.BlockSpec((BLKTC, 1), lambda i: (i, 0))
    row = pl.BlockSpec((1, D), lambda i: (0, 0))
    wsp = pl.BlockSpec((D, D), lambda i: (0, 0))
    shp = jax.ShapeDtypeStruct((N, D), jnp.float32)
    return pl.pallas_call(
        _tc2_body,
        grid=(GRID,),
        in_specs=[blk, blk, col, col, col, col, row, row, wsp, wsp],
        out_specs=[blk, blk],
        out_shape=[shp, shp],
    )(ra, rb, dia, dib, doa, dob, ba, bb, wa, wb)


def _tc3_body(ra, rb, dia, dib, ba, bb, wo, bo, out, emb):
    tx = ra[...] * _rsqd(dia) + ba[...] + rb[...] * _rsqd(dib) + bb[...]
    emb[...] = tx
    out[...] = jnp.dot(tx, wo[...], preferred_element_type=jnp.float32) + bo[...]


@jax.jit
def _tc3_call(ra, rb, dia, dib, ba, bb, wo, bo):
    blk = pl.BlockSpec((BLKTC, D), lambda i: (i, 0))
    col = pl.BlockSpec((BLKTC, 1), lambda i: (i, 0))
    row = pl.BlockSpec((1, D), lambda i: (0, 0))
    return pl.pallas_call(
        _tc3_body,
        grid=(GRID,),
        in_specs=[blk, blk, col, col, row, row,
                  pl.BlockSpec((D, ODIM), lambda i: (0, 0)),
                  pl.BlockSpec((1, ODIM), lambda i: (0, 0))],
        out_specs=[pl.BlockSpec((BLKTC, ODIM), lambda i: (i, 0)), blk],
        out_shape=[jax.ShapeDtypeStruct((N, ODIM), jnp.float32),
                   jax.ShapeDtypeStruct((N, D), jnp.float32)],
    )(ra, rb, dia, dib, ba, bb, wo, bo)


def _prep(ei):
    pad = (N + (jnp.arange(EP - E, dtype=jnp.int32) % L)).astype(jnp.int32)
    s = jnp.concatenate([ei[0].astype(jnp.int32), pad]).reshape(NROWS, 1, CH)
    d = jnp.concatenate([ei[1].astype(jnp.int32), pad]).reshape(NROWS, 1, CH)
    p = jax.lax.bitcast_convert_type(
        s.astype(jnp.uint32) | (d.astype(jnp.uint32) << 16), jnp.int32)
    return s, d, p


def kernel(features, ei_buys, ei_sells, ei_rb, ei_rs, emb_user, emb_merchant,
           W0_buys, b0_buys, W0_sells, b0_sells, W0_rb, b0_rb, W0_rs, b0_rs,
           W1_buys, b1_buys, W1_sells, b1_sells, W1_rb, b1_rb, W1_rs, b1_rs,
           W_out, b_out):
    s_rb, d_rb, p_rb = _prep(ei_rb)
    s_rs, d_rs, p_rs = _prep(ei_rs)
    s_by, d_by, p_by = _prep(ei_buys)
    s_sl, d_sl, p_sl = _prep(ei_sells)

    degs = _deg_call(s_rb, d_rb, s_rs, d_rs, s_by, d_by, s_sl, d_sl)
    (do_rb, di_rb, do_rs, di_rs,
     do_by, di_by, do_sl, di_sl) = [x.reshape(HN, 1) for x in degs]

    hs_rb, hs_rs = _tc1_call(features, do_rb, do_rs, W0_rb, W0_rs)
    u0r, m0r = _seg_call(hs_rb, p_rb, hs_rs, p_rs)
    hs_by, hs_sl = _tc2_call(u0r, m0r, di_rb, di_rs, do_by, do_sl,
                             b0_rb.reshape(1, D), b0_rs.reshape(1, D),
                             W1_buys, W1_sells)
    t1a, t1b = _seg_call(hs_by, p_by, hs_sl, p_sl)
    out, emb = _tc3_call(t1a, t1b, di_by, di_sl,
                         b1_buys.reshape(1, D), b1_sells.reshape(1, D),
                         W_out, b_out.reshape(1, ODIM))
    return (out, emb)

# --- scband reference (transcript-rebuilt; emitter-appended) ---
"""Pipeline reference for scband-hetero-rgcn-14774687498449 (READ-ONLY COPY).

The authoritative reference and input builder live on the scoring server;
editing this copy changes nothing except your own understanding.
"""

import jax, jax.numpy as jnp
import numpy as np

N_T = 50000
N_U = 50000
N_M = 50000
E = 150000
IN = 128
EMB = 128
HID = 128
OUT = 64


def _graph_conv(h_src, src, dst, n_src, n_dst, W, b):
    # DGL GraphConv with norm='both', bias=True (bipartite src->dst)
    ones = jnp.ones((src.shape[0],), jnp.float32)
    deg_out = jnp.maximum(jax.ops.segment_sum(ones, src, num_segments=n_src), 1.0)
    deg_in = jnp.maximum(jax.ops.segment_sum(ones, dst, num_segments=n_dst), 1.0)
    h = h_src * jax.lax.rsqrt(deg_out)[:, None]
    h = h @ W
    msg = jnp.take(h, src, axis=0)
    agg = jax.ops.segment_sum(msg, dst, num_segments=n_dst)
    agg = agg * jax.lax.rsqrt(deg_in)[:, None]
    return agg + b


def setup_inputs(seed: int = 0):
    key = jax.random.key(seed)
    ks = jax.random.split(key, 32)
    s = float(1.0 / np.sqrt(HID))
    inp = {}
    inp['features'] = jax.random.normal(ks[0], (N_T, IN), jnp.float32)
    inp['ei_buys'] = jax.random.randint(ks[1], (2, E), 0, N_T)
    inp['ei_sells'] = jax.random.randint(ks[2], (2, E), 0, N_T)
    inp['ei_rb'] = jax.random.randint(ks[3], (2, E), 0, N_T)
    inp['ei_rs'] = jax.random.randint(ks[4], (2, E), 0, N_T)
    inp['emb_user'] = jax.random.normal(ks[5], (N_U, EMB), jnp.float32) * 0.1
    inp['emb_merchant'] = jax.random.normal(ks[6], (N_M, EMB), jnp.float32) * 0.1
    wnames = ['W0_buys', 'W0_sells', 'W0_rb', 'W0_rs', 'W1_buys', 'W1_sells', 'W1_rb', 'W1_rs']
    for i, n in enumerate(wnames):
        inp[n] = jax.random.normal(ks[7 + i], (HID, HID), jnp.float32) * s
        inp['b' + n[1:]] = jnp.zeros((HID,), jnp.float32)
    inp['W_out'] = jax.random.normal(ks[20], (HID, OUT), jnp.float32) * s
    inp['b_out'] = jnp.zeros((OUT,), jnp.float32)
    return inp


def reference(features, ei_buys, ei_sells, ei_rb, ei_rs, emb_user, emb_merchant, W0_buys, b0_buys, W0_sells, b0_sells, W0_rb, b0_rb, W0_rs, b0_rs, W1_buys, b1_buys, W1_sells, b1_sells, W1_rb, b1_rb, W1_rs, b1_rs, W_out, b_out):
    # HeteroEmbedding lookup of ALL non-target node ids (full-table gather)
    h_user = jnp.take(emb_user, jnp.arange(N_U), axis=0)
    h_merch = jnp.take(emb_merchant, jnp.arange(N_M), axis=0)
    h_tx = features
    # layer 0: HeteroGraphConv(aggregate='sum')
    tx0 = _graph_conv(h_user, ei_buys[0], ei_buys[1], N_U, N_T, W0_buys, b0_buys)
    tx0 = tx0 + _graph_conv(h_merch, ei_sells[0], ei_sells[1], N_M, N_T, W0_sells, b0_sells)
    u0 = _graph_conv(h_tx, ei_rb[0], ei_rb[1], N_T, N_U, W0_rb, b0_rb)
    m0 = _graph_conv(h_tx, ei_rs[0], ei_rs[1], N_T, N_M, W0_rs, b0_rs)
    # leaky_relu applied between conv layers (i != 0)
    tx0 = jax.nn.leaky_relu(tx0, 0.01)
    u0 = jax.nn.leaky_relu(u0, 0.01)
    m0 = jax.nn.leaky_relu(m0, 0.01)
    # layer 1
    tx1 = _graph_conv(u0, ei_buys[0], ei_buys[1], N_U, N_T, W1_buys, b1_buys)
    tx1 = tx1 + _graph_conv(m0, ei_sells[0], ei_sells[1], N_M, N_T, W1_sells, b1_sells)
    u1 = _graph_conv(tx0, ei_rb[0], ei_rb[1], N_T, N_U, W1_rb, b1_rb)
    m1 = _graph_conv(tx0, ei_rs[0], ei_rs[1], N_T, N_M, W1_rs, b1_rs)
    embedding = tx1
    out = embedding @ W_out + b_out
    return (out, embedding)

if __name__ == "__main__":
    import jax
    _d = setup_inputs()
    print(jax.jit(kernel)(*tuple(_d.values())))

</pallas_src>

<mosaic_0001>
#map = affine_map<(d0, d1) -> (0, 0, 0)>
#map1 = affine_map<(d0, d1) -> (0)>
module attributes {stable_mosaic.version = 14 : i64} {
  func.func @_deg_body(%arg0: i32, %arg1: i32, %arg2: memref<1184x1x128xi32, #tpu.memory_space<hbm>>, %arg3: memref<1184x1x128xi32, #tpu.memory_space<hbm>>, %arg4: memref<1184x1x128xi32, #tpu.memory_space<hbm>>, %arg5: memref<1184x1x128xi32, #tpu.memory_space<hbm>>, %arg6: memref<1184x1x128xi32, #tpu.memory_space<hbm>>, %arg7: memref<1184x1x128xi32, #tpu.memory_space<hbm>>, %arg8: memref<1184x1x128xi32, #tpu.memory_space<hbm>>, %arg9: memref<1184x1x128xi32, #tpu.memory_space<hbm>>, %arg10: memref<50176xf32, #tpu.memory_space<hbm>>, %arg11: memref<50176xf32, #tpu.memory_space<hbm>>, %arg12: memref<50176xf32, #tpu.memory_space<hbm>>, %arg13: memref<50176xf32, #tpu.memory_space<hbm>>, %arg14: memref<50176xf32, #tpu.memory_space<hbm>>, %arg15: memref<50176xf32, #tpu.memory_space<hbm>>, %arg16: memref<50176xf32, #tpu.memory_space<hbm>>, %arg17: memref<50176xf32, #tpu.memory_space<hbm>>, %arg18: memref<50176xf32, #tpu.memory_space<vmem_shared>>, %arg19: memref<50176xf32, #tpu.memory_space<vmem_shared>>, %arg20: memref<50176xf32, #tpu.memory_space<vmem_shared>>, %arg21: memref<50176xf32, #tpu.memory_space<vmem_shared>>, %arg22: memref<74x1x128xi32, #tpu.memory_space<vmem>>, %arg23: memref<128xf32, #tpu.memory_space<vmem>>, %arg24: memref<3136xf32, #tpu.memory_space<vmem>>, %arg25: memref<!tpu.dma_semaphore, #tpu.memory_space<semaphore_mem>>) attributes {dimension_semantics = [#tpu.dimension_semantics<core_parallel>, #tpu.dimension_semantics<subcore_parallel>], iteration_bounds = array<i64: 2, 16>, scalar_prefetch = 0 : i64, scratch_operands = 8 : i64, tpu.core_type = #tpu.core_type<sc_vector_subcore>, window_params = [{transform_indices = #map}, {transform_indices = #map}, {transform_indices = #map}, {transform_indices = #map}, {transform_indices = #map}, {transform_indices = #map}, {transform_indices = #map}, {transform_indices = #map}, {transform_indices = #map1}, {transform_indices = #map1}, {transform_indices = #map1}, {transform_indices = #map1}, {transform_indices = #map1}, {transform_indices = #map1}, {transform_indices = #map1}, {transform_indices = #map1}]} {
    %broadcast_in_dim3A = arith.constant 1.000000e+00 : f32
    %broadcast_in_dim3A_0 = vector.broadcast %broadcast_in_dim3A : f32 to vector<16xf32>
    %broadcast_in_dim3A_1 = arith.constant 0.000000e+00 : f32
    %broadcast_in_dim3A_2 = vector.broadcast %broadcast_in_dim3A_1 : f32 to vector<16xf32>
    %scan3A = arith.constant 0 : i32
    %scan3A_3 = arith.constant 0 : i32
    %scan3A_4 = arith.constant 8 : i32
    %scan3A_5 = arith.addi %scan3A_3, %scan3A_4 : i32
    %scan3A_6 = arith.constant 1 : i32
    %scan3A_7 = scf.for %scan3A_30 = %scan3A_3 to %scan3A_5 step %scan3A_6 iter_args(%scan3A_31 = %scan3A) -> (i32)  : i32 {
      %mul3A_32 = arith.constant 16 : i32
      %mul3A_33 = arith.muli %scan3A_30, %mul3A_32 : i32
      %swap3A = arith.index_cast %mul3A_33 : i32 to index
      %swap3A_34 = tpu.vector_load %arg23[%swap3A] {strides = array<i32>} : memref<128xf32, #tpu.memory_space<vmem>>, vector<16xf32>,
      tpu.vector_store %arg23[%swap3A], %broadcast_in_dim3A_0 {strides = array<i32>} : memref<128xf32, #tpu.memory_space<vmem>>, vector<16xf32>,
      %scan3A_35 = arith.constant 0 : i32
      scf.yield %scan3A_35 : i32
    }
    %scan3A_8 = arith.constant 8 : i32
    %scan3A_9 = arith.constant 0 : i32
    %scan3A_10 = arith.constant 0 : i32
    %scan3A_11 = arith.constant 196 : i32
    %scan3A_12 = arith.addi %scan3A_10, %scan3A_11 : i32
    %scan3A_13 = arith.constant 1 : i32
    %scan3A_14 = scf.for %scan3A_30 = %scan3A_10 to %scan3A_12 step %scan3A_13 iter_args(%scan3A_31 = %scan3A_9) -> (i32)  : i32 {
      %mul3A_32 = arith.constant 16 : i32
      %mul3A_33 = arith.muli %scan3A_30, %mul3A_32 : i32
      %swap3A = arith.index_cast %mul3A_33 : i32 to index
      %swap3A_34 = tpu.vector_load %arg24[%swap3A] {strides = array<i32>} : memref<3136xf32, #tpu.memory_space<vmem>>, vector<16xf32>,
      tpu.vector_store %arg24[%swap3A], %broadcast_in_dim3A_2 {strides = array<i32>} : memref<3136xf32, #tpu.memory_space<vmem>>, vector<16xf32>,
      %scan3A_35 = arith.constant 0 : i32
      scf.yield %scan3A_35 : i32
    }
    %scan3A_15 = arith.constant 196 : i32
    %mul3A = arith.constant 3136 : i32
    %mul3A_16 = arith.muli %arg1, %mul3A : i32
    "tpu.region"() ({
      %run_scoped3A = tpu.sem_alloc : memref<!tpu.dma_semaphore, #tpu.memory_space<semaphore_mem>>
      %dma_start3A = tpu.memref_slice %arg18[%mul3A_16] : memref<50176xf32, #tpu.memory_space<vmem_shared>> -> memref<3136xf32, #tpu.memory_space<vmem_shared>>
      %dma_start3A_30 = tpu.memref_slice %arg18[%mul3A_16] : memref<50176xf32, #tpu.memory_space<vmem_shared>> -> memref<3136xf32, #tpu.memory_space<vmem_shared>>
      tpu.enqueue_dma source(%arg24 : memref<3136xf32, #tpu.memory_space<vmem>>) target(%dma_start3A_30 : memref<3136xf32, #tpu.memory_space<vmem_shared>>) target_semaphore(%run_scoped3A : memref<!tpu.dma_semaphore, #tpu.memory_space<semaphore_mem>>)
      %dma_wait3A = tpu.memref_slice %arg18[%mul3A_16] : memref<50176xf32, #tpu.memory_space<vmem_shared>> -> memref<3136xf32, #tpu.memory_space<vmem_shared>>
      %dma_wait3A_31 = tpu.memref_slice %arg18[%mul3A_16] : memref<50176xf32, #tpu.memory_space<vmem_shared>> -> memref<3136xf32, #tpu.memory_space<vmem_shared>>
      tpu.wait_dma2 semaphore(%run_scoped3A : memref<!tpu.dma_semaphore, #tpu.memory_space<semaphore_mem>>) src(%arg24 : memref<3136xf32, #tpu.memory_space<vmem>>) dst(%dma_wait3A_31 : memref<3136xf32, #tpu.memory_space<vmem_shared>>)
      tpu.yield
    }) : () -> ()
    %mul3A_17 = arith.constant 3136 : i32
    %mul3A_18 = arith.muli %arg1, %mul3A_17 : i32
    "tpu.region"() ({
      %run_scoped3A = tpu.sem_alloc : memref<!tpu.dma_semaphore, #tpu.memory_space<semaphore_mem>>
      %dma_start3A = tpu.memref_slice %arg19[%mul3A_18] : memref<50176xf32, #tpu.memory_space<vmem_shared>> -> memref<3136xf32, #tpu.memory_space<vmem_shared>>
      %dma_start3A_30 = tpu.memref_slice %arg19[%mul3A_18] : memref<50176xf32, #tpu.memory_space<vmem_shared>> -> memref<3136xf32, #tpu.memory_space<vmem_shared>>
      tpu.enqueue_dma source(%arg24 : memref<3136xf32, #tpu.memory_space<vmem>>) target(%dma_start3A_30 : memref<3136xf32, #tpu.memory_space<vmem_shared>>) target_semaphore(%run_scoped3A : memref<!tpu.dma_semaphore, #tpu.memory_space<semaphore_mem>>)
      %dma_wait3A = tpu.memref_slice %arg19[%mul3A_18] : memref<50176xf32, #tpu.memory_space<vmem_shared>> -> memref<3136xf32, #tpu.memory_space<vmem_shared>>
      %dma_wait3A_31 = tpu.memref_slice %arg19[%mul3A_18] : memref<50176xf32, #tpu.memory_space<vmem_shared>> -> memref<3136xf32, #tpu.memory_space<vmem_shared>>
      tpu.wait_dma2 semaphore(%run_scoped3A : memref<!tpu.dma_semaphore, #tpu.memory_space<semaphore_mem>>) src(%arg24 : memref<3136xf32, #tpu.memory_space<vmem>>) dst(%dma_wait3A_31 : memref<3136xf32, #tpu.memory_space<vmem_shared>>)
      tpu.yield
    }) : () -> ()
    %mul3A_19 = arith.constant 3136 : i32
    %mul3A_20 = arith.muli %arg1, %mul3A_19 : i32
    "tpu.region"() ({
      %run_scoped3A = tpu.sem_alloc : memref<!tpu.dma_semaphore, #tpu.memory_space<semaphore_mem>>
      %dma_start3A = tpu.memref_slice %arg20[%mul3A_20] : memref<50176xf32, #tpu.memory_space<vmem_shared>> -> memref<3136xf32, #tpu.memory_space<vmem_shared>>
      %dma_start3A_30 = tpu.memref_slice %arg20[%mul3A_20] : memref<50176xf32, #tpu.memory_space<vmem_shared>> -> memref<3136xf32, #tpu.memory_space<vmem_shared>>
      tpu.enqueue_dma source(%arg24 : memref<3136xf32, #tpu.memory_space<vmem>>) target(%dma_start3A_30 : memref<3136xf32, #tpu.memory_space<vmem_shared>>) target_semaphore(%run_scoped3A : memref<!tpu.dma_semaphore, #tpu.memory_space<semaphore_mem>>)
      %dma_wait3A = tpu.memref_slice %arg20[%mul3A_20] : memref<50176xf32, #tpu.memory_space<vmem_shared>> -> memref<3136xf32, #tpu.memory_space<vmem_shared>>
      %dma_wait3A_31 = tpu.memref_slice %arg20[%mul3A_20] : memref<50176xf32, #tpu.memory_space<vmem_shared>> -> memref<3136xf32, #tpu.memory_space<vmem_shared>>
      tpu.wait_dma2 semaphore(%run_scoped3A : memref<!tpu.dma_semaphore, #tpu.memory_space<semaphore_mem>>) src(%arg24 : memref<3136xf32, #tpu.memory_space<vmem>>) dst(%dma_wait3A_31 : memref<3136xf32, #tpu.memory_space<vmem_shared>>)
      tpu.yield
    }) : () -> ()
    %mul3A_21 = arith.constant 3136 : i32
    %mul3A_22 = arith.muli %arg1, %mul3A_21 : i32
    "tpu.region"() ({
      %run_scoped3A = tpu.sem_alloc : memref<!tpu.dma_semaphore, #tpu.memory_space<semaphore_mem>>
      %dma_start3A = tpu.memref_slice %arg21[%mul3A_22] : memref<50176xf32, #tpu.memory_space<vmem_shared>> -> memref<3136xf32, #tpu.memory_space<vmem_shared>>
      %dma_start3A_30 = tpu.memref_slice %arg21[%mul3A_22] : memref<50176xf32, #tpu.memory_space<vmem_shared>> -> memref<3136xf32, #tpu.memory_space<vmem_shared>>
      tpu.enqueue_dma source(%arg24 : memref<3136xf32, #tpu.memory_space<vmem>>) target(%dma_start3A_30 : memref<3136xf32, #tpu.memory_space<vmem_shared>>) target_semaphore(%run_scoped3A : memref<!tpu.dma_semaphore, #tpu.memory_space<semaphore_mem>>)
      %dma_wait3A = tpu.memref_slice %arg21[%mul3A_22] : memref<50176xf32, #tpu.memory_space<vmem_shared>> -> memref<3136xf32, #tpu.memory_space<vmem_shared>>
      %dma_wait3A_31 = tpu.memref_slice %arg21[%mul3A_22] : memref<50176xf32, #tpu.memory_space<vmem_shared>> -> memref<3136xf32, #tpu.memory_space<vmem_shared>>
      tpu.wait_dma2 semaphore(%run_scoped3A : memref<!tpu.dma_semaphore, #tpu.memory_space<semaphore_mem>>) src(%arg24 : memref<3136xf32, #tpu.memory_space<vmem>>) dst(%dma_wait3A_31 : memref<3136xf32, #tpu.memory_space<vmem_shared>>)
      tpu.yield
    }) : () -> ()
    %barrier3A = arith.constant 0 : index
    tpu.barrier barrier_id(%barrier3A)
    %eq3A = arith.constant 0 : i32
    %eq3A_23 = arith.cmpi eq, %arg0, %eq3A : i32
    %convert_element_type3A = arith.extui %eq3A_23 : i1 to i32
    %cond3A = arith.constant 0 : i32
    %cond3A_24 = arith.cmpi ne, %convert_element_type3A, %cond3A : i32
    scf.if %cond3A_24 {
      %mul3A_30 = arith.constant 74 : i32
      %mul3A_31 = arith.muli %arg1, %mul3A_30 : i32
      "tpu.region"() ({
        %run_scoped3A = tpu.sem_alloc : memref<!tpu.dma_semaphore, #tpu.memory_space<semaphore_mem>>
        %dma_start3A = arith.constant 0 : i32
        %dma_start3A_111 = arith.constant 0 : i32
        %dma_start3A_112 = tpu.memref_slice %arg2[%mul3A_31, %dma_start3A, %dma_start3A_111] : memref<1184x1x128xi32, #tpu.memory_space<hbm>> -> memref<74x1x128xi32, #tpu.memory_space<hbm>>
        %dma_start3A_113 = arith.constant 0 : i32
        %dma_start3A_114 = arith.constant 0 : i32
        %dma_start3A_115 = tpu.memref_slice %arg2[%mul3A_31, %dma_start3A_113, %dma_start3A_114] : memref<1184x1x128xi32, #tpu.memory_space<hbm>> -> memref<74x1x128xi32, #tpu.memory_space<hbm>>
        tpu.enqueue_dma source(%dma_start3A_115 : memref<74x1x128xi32, #tpu.memory_space<hbm>>) target(%arg22 : memref<74x1x128xi32, #tpu.memory_space<vmem>>) target_semaphore(%run_scoped3A : memref<!tpu.dma_semaphore, #tpu.memory_space<semaphore_mem>>)
        %dma_wait3A = arith.constant 0 : i32
        %dma_wait3A_116 = arith.constant 0 : i32
        %dma_wait3A_117 = tpu.memref_slice %arg2[%mul3A_31, %dma_wait3A, %dma_wait3A_116] : memref<1184x1x128xi32, #tpu.memory_space<hbm>> -> memref<74x1x128xi32, #tpu.memory_space<hbm>>
        %dma_wait3A_118 = arith.constant 0 : i32
        %dma_wait3A_119 = arith.constant 0 : i32
        %dma_wait3A_120 = tpu.memref_slice %arg2[%mul3A_31, %dma_wait3A_118, %dma_wait3A_119] : memref<1184x1x128xi32, #tpu.memory_space<hbm>> -> memref<74x1x128xi32, #tpu.memory_space<hbm>>
        tpu.wait_dma2 semaphore(%run_scoped3A : memref<!tpu.dma_semaphore, #tpu.memory_space<semaphore_mem>>) src(%dma_wait3A_120 : memref<74x1x128xi32, #tpu.memory_space<hbm>>) dst(%arg22 : memref<74x1x128xi32, #tpu.memory_space<vmem>>)
        tpu.yield
      }) : () -> ()
      %scan3A_32 = arith.constant 0 : i32
      %scan3A_33 = arith.constant 0 : i32
      %scan3A_34 = arith.constant 74 : i32
      %scan3A_35 = arith.addi %scan3A_33, %scan3A_34 : i32
      %scan3A_36 = arith.constant 1 : i32
      %scan3A_37 = scf.for %scan3A_111 = %scan3A_33 to %scan3A_35 step %scan3A_36 iter_args(%scan3A_112 = %scan3A_32) -> (i32)  : i32 {
        %dma_start3A = arith.constant 0 : i32
        %dma_start3A_113 = arith.constant 0 : i32
        %dma_start3A_114 = tpu.memref_slice %arg22[%scan3A_111, %dma_start3A, %dma_start3A_113] : memref<74x1x128xi32, #tpu.memory_space<vmem>> -> memref<1x1x128xi32, #tpu.memory_space<vmem>>
        %dma_start3A_115 = tpu.memref_squeeze %dma_start3A_114 : memref<1x1x128xi32, #tpu.memory_space<vmem>> -> memref<128xi32, #tpu.memory_space<vmem>>
        %dma_start3A_116 = arith.constant 0 : i32
        %dma_start3A_117 = tpu.memref_slice %arg18[%dma_start3A_116] : memref<50176xf32, #tpu.memory_space<vmem_shared>> -> memref<50176xf32, #tpu.memory_space<vmem_shared>>
        tpu.enqueue_indirect_dma source(%arg23 : memref<128xf32, #tpu.memory_space<vmem>>) target(%dma_start3A_117 : memref<50176xf32, #tpu.memory_space<vmem_shared>>) offsets(%dma_start3A_115 : memref<128xi32, #tpu.memory_space<vmem>>) semaphore(%arg25 : memref<!tpu.dma_semaphore, #tpu.memory_space<semaphore_mem>>) {add = true}
        %scan3A_118 = arith.constant 0 : i32
        scf.yield %scan3A_118 : i32
      }
      %scan3A_38 = arith.constant 74 : i32
      %scan3A_39 = arith.constant 0 : i32
      %scan3A_40 = arith.constant 0 : i32
      %scan3A_41 = arith.constant 74 : i32
      %scan3A_42 = arith.addi %scan3A_40, %scan3A_41 : i32
      %scan3A_43 = arith.constant 1 : i32
      %scan3A_44 = scf.for %scan3A_111 = %scan3A_40 to %scan3A_42 step %scan3A_43 iter_args(%scan3A_112 = %scan3A_39) -> (i32)  : i32 {
        %dma_wait3A = arith.constant 0 : i32
        %dma_wait3A_113 = arith.constant 0 : i32
        %dma_wait3A_114 = tpu.memref_slice %arg22[%scan3A_111, %dma_wait3A, %dma_wait3A_113] : memref<74x1x128xi32, #tpu.memory_space<vmem>> -> memref<1x1x128xi32, #tpu.memory_space<vmem>>
        %dma_wait3A_115 = tpu.memref_squeeze %dma_wait3A_114 : memref<1x1x128xi32, #tpu.memory_space<vmem>> -> memref<128xi32, #tpu.memory_space<vmem>>
        %dma_wait3A_116 = arith.constant 0 : i32
        %dma_wait3A_117 = tpu.memref_slice %arg18[%dma_wait3A_116] : memref<50176xf32, #tpu.memory_space<vmem_shared>> -> memref<50176xf32, #tpu.memory_space<vmem_shared>>
        tpu.wait_indirect_dma semaphore(%arg25 : memref<!tpu.dma_semaphore, #tpu.memory_space<semaphore_mem>>) src(%arg23 : memref<128xf32, #tpu.memory_space<vmem>>) dst(%dma_wait3A_117 : memref<50176xf32, #tpu.memory_space<vmem_shared>>)
        %scan3A_118 = arith.constant 0 : i32
        scf.yield %scan3A_118 : i32
      }
      %scan3A_45 = arith.constant 74 : i32
      %mul3A_46 = arith.constant 74 : i32
      %mul3A_47 = arith.muli %arg1, %mul3A_46 : i32
      "tpu.region"() ({
        %run_scoped3A = tpu.sem_alloc : memref<!tpu.dma_semaphore, #tpu.memory_space<semaphore_mem>>
        %dma_start3A = arith.constant 0 : i32
        %dma_start3A_111 = arith.constant 0 : i32
        %dma_start3A_112 = tpu.memref_slice %arg3[%mul3A_47, %dma_start3A, %dma_start3A_111] : memref<1184x1x128xi32, #tpu.memory_space<hbm>> -> memref<74x1x128xi32, #tpu.memory_space<hbm>>
        %dma_start3A_113 = arith.constant 0 : i32
        %dma_start3A_114 = arith.constant 0 : i32
        %dma_start3A_115 = tpu.memref_slice %arg3[%mul3A_47, %dma_start3A_113, %dma_start3A_114] : memref<1184x1x128xi32, #tpu.memory_space<hbm>> -> memref<74x1x128xi32, #tpu.memory_space<hbm>>
        tpu.enqueue_dma source(%dma_start3A_115 : memref<74x1x128xi32, #tpu.memory_space<hbm>>) target(%arg22 : memref<74x1x128xi32, #tpu.memory_space<vmem>>) target_semaphore(%run_scoped3A : memref<!tpu.dma_semaphore, #tpu.memory_space<semaphore_mem>>)
        %dma_wait3A = arith.constant 0 : i32
        %dma_wait3A_116 = arith.constant 0 : i32
        %dma_wait3A_117 = tpu.memref_slice %arg3[%mul3A_47, %dma_wait3A, %dma_wait3A_116] : memref<1184x1x128xi32, #tpu.memory_space<hbm>> -> memref<74x1x128xi32, #tpu.memory_space<hbm>>
        %dma_wait3A_118 = arith.constant 0 : i32
        %dma_wait3A_119 = arith.constant 0 : i32
        %dma_wait3A_120 = tpu.memref_slice %arg3[%mul3A_47, %dma_wait3A_118, %dma_wait3A_119] : memref<1184x1x128xi32, #tpu.memory_space<hbm>> -> memref<74x1x128xi32, #tpu.memory_space<hbm>>
        tpu.wait_dma2 semaphore(%run_scoped3A : memref<!tpu.dma_semaphore, #tpu.memory_space<semaphore_mem>>) src(%dma_wait3A_120 : memref<74x1x128xi32, #tpu.memory_space<hbm>>) dst(%arg22 : memref<74x1x128xi32, #tpu.memory_space<vmem>>)
        tpu.yield
      }) : () -> ()
      %scan3A_48 = arith.constant 0 : i32
      %scan3A_49 = arith.constant 0 : i32
      %scan3A_50 = arith.constant 74 : i32
      %scan3A_51 = arith.addi %scan3A_49, %scan3A_50 : i32
      %scan3A_52 = arith.constant 1 : i32
      %scan3A_53 = scf.for %scan3A_111 = %scan3A_49 to %scan3A_51 step %scan3A_52 iter_args(%scan3A_112 = %scan3A_48) -> (i32)  : i32 {
        %dma_start3A = arith.constant 0 : i32
        %dma_start3A_113 = arith.constant 0 : i32
        %dma_start3A_114 = tpu.memref_slice %arg22[%scan3A_111, %dma_start3A, %dma_start3A_113] : memref<74x1x128xi32, #tpu.memory_space<vmem>> -> memref<1x1x128xi32, #tpu.memory_space<vmem>>
        %dma_start3A_115 = tpu.memref_squeeze %dma_start3A_114 : memref<1x1x128xi32, #tpu.memory_space<vmem>> -> memref<128xi32, #tpu.memory_space<vmem>>
        %dma_start3A_116 = arith.constant 0 : i32
        %dma_start3A_117 = tpu.memref_slice %arg19[%dma_start3A_116] : memref<50176xf32, #tpu.memory_space<vmem_shared>> -> memref<50176xf32, #tpu.memory_space<vmem_shared>>
        tpu.enqueue_indirect_dma source(%arg23 : memref<128xf32, #tpu.memory_space<vmem>>) target(%dma_start3A_117 : memref<50176xf32, #tpu.memory_space<vmem_shared>>) offsets(%dma_start3A_115 : memref<128xi32, #tpu.memory_space<vmem>>) semaphore(%arg25 : memref<!tpu.dma_semaphore, #tpu.memory_space<semaphore_mem>>) {add = true}
        %scan3A_118 = arith.constant 0 : i32
        scf.yield %scan3A_118 : i32
      }
      %scan3A_54 = arith.constant 74 : i32
      %scan3A_55 = arith.constant 0 : i32
      %scan3A_56 = arith.constant 0 : i32
      %scan3A_57 = arith.constant 74 : i32
      %scan3A_58 = arith.addi %scan3A_56, %scan3A_57 : i32
      %scan3A_59 = arith.constant 1 : i32
      %scan3A_60 = scf.for %scan3A_111 = %scan3A_56 to %scan3A_58 step %scan3A_59 iter_args(%scan3A_112 = %scan3A_55) -> (i32)  : i32 {
        %dma_wait3A = arith.constant 0 : i32
        %dma_wait3A_113 = arith.constant 0 : i32
        %dma_wait3A_114 = tpu.memref_slice %arg22[%scan3A_111, %dma_wait3A, %dma_wait3A_113] : memref<74x1x128xi32, #tpu.memory_space<vmem>> -> memref<1x1x128xi32, #tpu.memory_space<vmem>>
        %dma_wait3A_115 = tpu.memref_squeeze %dma_wait3A_114 : memref<1x1x128xi32, #tpu.memory_space<vmem>> -> memref<128xi32, #tpu.memory_space<vmem>>
        %dma_wait3A_116 = arith.constant 0 : i32
        %dma_wait3A_117 = tpu.memref_slice %arg19[%dma_wait3A_116] : memref<50176xf32, #tpu.memory_space<vmem_shared>> -> memref<50176xf32, #tpu.memory_space<vmem_shared>>
        tpu.wait_indirect_dma semaphore(%arg25 : memref<!tpu.dma_semaphore, #tpu.memory_space<semaphore_mem>>) src(%arg23 : memref<128xf32, #tpu.memory_space<vmem>>) dst(%dma_wait3A_117 : memref<50176xf32, #tpu.memory_space<vmem_shared>>)
        %scan3A_118 = arith.constant 0 : i32
        scf.yield %scan3A_118 : i32
      }
      %scan3A_61 = arith.constant 74 : i32
      %mul3A_62 = arith.constant 74 : i32
      %mul3A_63 = arith.muli %arg1, %mul3A_62 : i32
      "tpu.region"() ({
        %run_scoped3A = tpu.sem_alloc : memref<!tpu.dma_semaphore, #tpu.memory_space<semaphore_mem>>
        %dma_start3A = arith.constant 0 : i32
        %dma_start3A_111 = arith.constant 0 : i32
        %dma_start3A_112 = tpu.memref_slice %arg4[%mul3A_63, %dma_start3A, %dma_start3A_111] : memref<1184x1x128xi32, #tpu.memory_space<hbm>> -> memref<74x1x128xi32, #tpu.memory_space<hbm>>
        %dma_start3A_113 = arith.constant 0 : i32
        %dma_start3A_114 = arith.constant 0 : i32
        %dma_start3A_115 = tpu.memref_slice %arg4[%mul3A_63, %dma_start3A_113, %dma_start3A_114] : memref<1184x1x128xi32, #tpu.memory_space<hbm>> -> memref<74x1x128xi32, #tpu.memory_space<hbm>>
        tpu.enqueue_dma source(%dma_start3A_115 : memref<74x1x128xi32, #tpu.memory_space<hbm>>) target(%arg22 : memref<74x1x128xi32, #tpu.memory_space<vmem>>) target_semaphore(%run_scoped3A : memref<!tpu.dma_semaphore, #tpu.memory_space<semaphore_mem>>)
        %dma_wait3A = arith.constant 0 : i32
        %dma_wait3A_116 = arith.constant 0 : i32
        %dma_wait3A_117 = tpu.memref_slice %arg4[%mul3A_63, %dma_wait3A, %dma_wait3A_116] : memref<1184x1x128xi32, #tpu.memory_space<hbm>> -> memref<74x1x128xi32, #tpu.memory_space<hbm>>
        %dma_wait3A_118 = arith.constant 0 : i32
        %dma_wait3A_119 = arith.constant 0 : i32
        %dma_wait3A_120 = tpu.memref_slice %arg4[%mul3A_63, %dma_wait3A_118, %dma_wait3A_119] : memref<1184x1x128xi32, #tpu.memory_space<hbm>> -> memref<74x1x128xi32, #tpu.memory_space<hbm>>
        tpu.wait_dma2 semaphore(%run_scoped3A : memref<!tpu.dma_semaphore, #tpu.memory_space<semaphore_mem>>) src(%dma_wait3A_120 : memref<74x1x128xi32, #tpu.memory_space<hbm>>) dst(%arg22 : memref<74x1x128xi32, #tpu.memory_space<vmem>>)
        tpu.yield
      }) : () -> ()
      %scan3A_64 = arith.constant 0 : i32
      %scan3A_65 = arith.constant 0 : i32
      %scan3A_66 = arith.constant 74 : i32
      %scan3A_67 = arith.addi %scan3A_65, %scan3A_66 : i32
      %scan3A_68 = arith.constant 1 : i32
      %scan3A_69 = scf.for %scan3A_111 = %scan3A_65 to %scan3A_67 step %scan3A_68 iter_args(%scan3A_112 = %scan3A_64) -> (i32)  : i32 {
        %dma_start3A = arith.constant 0 : i32
        %dma_start3A_113 = arith.constant 0 : i32
        %dma_start3A_114 = tpu.memref_slice %arg22[%scan3A_111, %dma_start3A, %dma_start3A_113] : memref<74x1x128xi32, #tpu.memory_space<vmem>> -> memref<1x1x128xi32, #tpu.memory_space<vmem>>
        %dma_start3A_115 = tpu.memref_squeeze %dma_start3A_114 : memref<1x1x128xi32, #tpu.memory_space<vmem>> -> memref<128xi32, #tpu.memory_space<vmem>>
        %dma_start3A_116 = arith.constant 0 : i32
        %dma_start3A_117 = tpu.memref_slice %arg20[%dma_start3A_116] : memref<50176xf32, #tpu.memory_space<vmem_shared>> -> memref<50176xf32, #tpu.memory_space<vmem_shared>>
        tpu.enqueue_indirect_dma source(%arg23 : memref<128xf32, #tpu.memory_space<vmem>>) target(%dma_start3A_117 : memref<50176xf32, #tpu.memory_space<vmem_shared>>) offsets(%dma_start3A_115 : memref<128xi32, #tpu.memory_space<vmem>>) semaphore(%arg25 : memref<!tpu.dma_semaphore, #tpu.memory_space<semaphore_mem>>) {add = true}
        %scan3A_118 = arith.constant 0 : i32
        scf.yield %scan3A_118 : i32
      }
      %scan3A_70 = arith.constant 74 : i32
      %scan3A_71 = arith.constant 0 : i32
      %scan3A_72 = arith.constant 0 : i32
      %scan3A_73 = arith.constant 74 : i32
      %scan3A_74 = arith.addi %scan3A_72, %scan3A_73 : i32
      %scan3A_75 = arith.constant 1 : i32
      %scan3A_76 = scf.for %scan3A_111 = %scan3A_72 to %scan3A_74 step %scan3A_75 iter_args(%scan3A_112 = %scan3A_71) -> (i32)  : i32 {
        %dma_wait3A = arith.constant 0 : i32
        %dma_wait3A_113 = arith.constant 0 : i32
        %dma_wait3A_114 = tpu.memref_slice %arg22[%scan3A_111, %dma_wait3A, %dma_wait3A_113] : memref<74x1x128xi32, #tpu.memory_space<vmem>> -> memref<1x1x128xi32, #tpu.memory_space<vmem>>
        %dma_wait3A_115 = tpu.memref_squeeze %dma_wait3A_114 : memref<1x1x128xi32, #tpu.memory_space<vmem>> -> memref<128xi32, #tpu.memory_space<vmem>>
        %dma_wait3A_116 = arith.constant 0 : i32
        %dma_wait3A_117 = tpu.memref_slice %arg20[%dma_wait3A_116] : memref<50176xf32, #tpu.memory_space<vmem_shared>> -> memref<50176xf32, #tpu.memory_space<vmem_shared>>
        tpu.wait_indirect_dma semaphore(%arg25 : memref<!tpu.dma_semaphore, #tpu.memory_space<semaphore_mem>>) src(%arg23 : memref<128xf32, #tpu.memory_space<vmem>>) dst(%dma_wait3A_117 : memref<50176xf32, #tpu.memory_space<vmem_shared>>)
        %scan3A_118 = arith.constant 0 : i32
        scf.yield %scan3A_118 : i32
      }
      %scan3A_77 = arith.constant 74 : i32
      %mul3A_78 = arith.constant 74 : i32
      %mul3A_79 = arith.muli %arg1, %mul3A_78 : i32
      "tpu.region"() ({
        %run_scoped3A = tpu.sem_alloc : memref<!tpu.dma_semaphore, #tpu.memory_space<semaphore_mem>>
        %dma_start3A = arith.constant 0 : i32
        %dma_start3A_111 = arith.constant 0 : i32
        %dma_start3A_112 = tpu.memref_slice %arg5[%mul3A_79, %dma_start3A, %dma_start3A_111] : memref<1184x1x128xi32, #tpu.memory_space<hbm>> -> memref<74x1x128xi32, #tpu.memory_space<hbm>>
        %dma_start3A_113 = arith.constant 0 : i32
        %dma_start3A_114 = arith.constant 0 : i32
        %dma_start3A_115 = tpu.memref_slice %arg5[%mul3A_79, %dma_start3A_113, %dma_start3A_114] : memref<1184x1x128xi32, #tpu.memory_space<hbm>> -> memref<74x1x128xi32, #tpu.memory_space<hbm>>
        tpu.enqueue_dma source(%dma_start3A_115 : memref<74x1x128xi32, #tpu.memory_space<hbm>>) target(%arg22 : memref<74x1x128xi32, #tpu.memory_space<vmem>>) target_semaphore(%run_scoped3A : memref<!tpu.dma_semaphore, #tpu.memory_space<semaphore_mem>>)
        %dma_wait3A = arith.constant 0 : i32
        %dma_wait3A_116 = arith.constant 0 : i32
        %dma_wait3A_117 = tpu.memref_slice %arg5[%mul3A_79, %dma_wait3A, %dma_wait3A_116] : memref<1184x1x128xi32, #tpu.memory_space<hbm>> -> memref<74x1x128xi32, #tpu.memory_space<hbm>>
        %dma_wait3A_118 = arith.constant 0 : i32
        %dma_wait3A_119 = arith.constant 0 : i32
        %dma_wait3A_120 = tpu.memref_slice %arg5[%mul3A_79, %dma_wait3A_118, %dma_wait3A_119] : memref<1184x1x128xi32, #tpu.memory_space<hbm>> -> memref<74x1x128xi32, #tpu.memory_space<hbm>>
        tpu.wait_dma2 semaphore(%run_scoped3A : memref<!tpu.dma_semaphore, #tpu.memory_space<semaphore_mem>>) src(%dma_wait3A_120 : memref<74x1x128xi32, #tpu.memory_space<hbm>>) dst(%arg22 : memref<74x1x128xi32, #tpu.memory_space<vmem>>)
        tpu.yield
      }) : () -> ()
      %scan3A_80 = arith.constant 0 : i32
      %scan3A_81 = arith.constant 0 : i32
      %scan3A_82 = arith.constant 74 : i32
      %scan3A_83 = arith.addi %scan3A_81, %scan3A_82 : i32
      %scan3A_84 = arith.constant 1 : i32
      %scan3A_85 = scf.for %scan3A_111 = %scan3A_81 to %scan3A_83 step %scan3A_84 iter_args(%scan3A_112 = %scan3A_80) -> (i32)  : i32 {
        %dma_start3A = arith.constant 0 : i32
        %dma_start3A_113 = arith.constant 0 : i32
        %dma_start3A_114 = tpu.memref_slice %arg22[%scan3A_111, %dma_start3A, %dma_start3A_113] : memref<74x1x128xi32, #tpu.memory_space<vmem>> -> memref<1x1x128xi32, #tpu.memory_space<vmem>>
        %dma_start3A_115 = tpu.memref_squeeze %dma_start3A_114 : memref<1x1x128xi32, #tpu.memory_space<vmem>> -> memref<128xi32, #tpu.memory_space<vmem>>
        %dma_start3A_116 = arith.constant 0 : i32
        %dma_start3A_117 = tpu.memref_slice %arg21[%dma_start3A_116] : memref<50176xf32, #tpu.memory_space<vmem_shared>> -> memref<50176xf32, #tpu.memory_space<vmem_shared>>
        tpu.enqueue_indirect_dma source(%arg23 : memref<128xf32, #tpu.memory_space<vmem>>) target(%dma_start3A_117 : memref<50176xf32, #tpu.memory_space<vmem_shared>>) offsets(%dma_start3A_115 : memref<128xi32, #tpu.memory_space<vmem>>) semaphore(%arg25 : memref<!tpu.dma_semaphore, #tpu.memory_space<semaphore_mem>>) {add = true}
        %scan3A_118 = arith.constant 0 : i32
        scf.yield %scan3A_118 : i32
      }
      %scan3A_86 = arith.constant 74 : i32
      %scan3A_87 = arith.constant 0 : i32
      %scan3A_88 = arith.constant 0 : i32
      %scan3A_89 = arith.constant 74 : i32
      %scan3A_90 = arith.addi %scan3A_88, %scan3A_89 : i32
      %scan3A_91 = arith.constant 1 : i32
      %scan3A_92 = scf.for %scan3A_111 = %scan3A_88 to %scan3A_90 step %scan3A_91 iter_args(%scan3A_112 = %scan3A_87) -> (i32)  : i32 {
        %dma_wait3A = arith.constant 0 : i32
        %dma_wait3A_113 = arith.constant 0 : i32
        %dma_wait3A_114 = tpu.memref_slice %arg22[%scan3A_111, %dma_wait3A, %dma_wait3A_113] : memref<74x1x128xi32, #tpu.memory_space<vmem>> -> memref<1x1x128xi32, #tpu.memory_space<vmem>>
        %dma_wait3A_115 = tpu.memref_squeeze %dma_wait3A_114 : memref<1x1x128xi32, #tpu.memory_space<vmem>> -> memref<128xi32, #tpu.memory_space<vmem>>
        %dma_wait3A_116 = arith.constant 0 : i32
        %dma_wait3A_117 = tpu.memref_slice %arg21[%dma_wait3A_116] : memref<50176xf32, #tpu.memory_space<vmem_shared>> -> memref<50176xf32, #tpu.memory_space<vmem_shared>>
        tpu.wait_indirect_dma semaphore(%arg25 : memref<!tpu.dma_semaphore, #tpu.memory_space<semaphore_mem>>) src(%arg23 : memref<128xf32, #tpu.memory_space<vmem>>) dst(%dma_wait3A_117 : memref<50176xf32, #tpu.memory_space<vmem_shared>>)
        %scan3A_118 = arith.constant 0 : i32
        scf.yield %scan3A_118 : i32
      }
      %scan3A_93 = arith.constant 74 : i32
      %barrier3A_94 = arith.constant 0 : index
      tpu.barrier barrier_id(%barrier3A_94)
      %mul3A_95 = arith.constant 3136 : i32
      %mul3A_96 = arith.muli %arg1, %mul3A_95 : i32
      "tpu.region"() ({
        %run_scoped3A = tpu.sem_alloc : memref<!tpu.dma_semaphore, #tpu.memory_space<semaphore_mem>>
        %dma_start3A = tpu.memref_slice %arg18[%mul3A_96] : memref<50176xf32, #tpu.memory_space<vmem_shared>> -> memref<3136xf32, #tpu.memory_space<vmem_shared>>
        %dma_start3A_111 = tpu.memref_slice %arg18[%mul3A_96] : memref<50176xf32, #tpu.memory_space<vmem_shared>> -> memref<3136xf32, #tpu.memory_space<vmem_shared>>
        tpu.enqueue_dma source(%dma_start3A_111 : memref<3136xf32, #tpu.memory_space<vmem_shared>>) target(%arg24 : memref<3136xf32, #tpu.memory_space<vmem>>) target_semaphore(%run_scoped3A : memref<!tpu.dma_semaphore, #tpu.memory_space<semaphore_mem>>)
        %dma_wait3A = tpu.memref_slice %arg18[%mul3A_96] : memref<50176xf32, #tpu.memory_space<vmem_shared>> -> memref<3136xf32, #tpu.memory_space<vmem_shared>>
        %dma_wait3A_112 = tpu.memref_slice %arg18[%mul3A_96] : memref<50176xf32, #tpu.memory_space<vmem_shared>> -> memref<3136xf32, #tpu.memory_space<vmem_shared>>
        tpu.wait_dma2 semaphore(%run_scoped3A : memref<!tpu.dma_semaphore, #tpu.memory_space<semaphore_mem>>) src(%dma_wait3A_112 : memref<3136xf32, #tpu.memory_space<vmem_shared>>) dst(%arg24 : memref<3136xf32, #tpu.memory_space<vmem>>)
        tpu.yield
      }) : () -> ()
      %mul3A_97 = arith.constant 3136 : i32
      %mul3A_98 = arith.muli %arg1, %mul3A_97 : i32
      "tpu.region"() ({
        %run_scoped3A = tpu.sem_alloc : memref<!tpu.dma_semaphore, #tpu.memory_space<semaphore_mem>>
        %dma_start3A = tpu.memref_slice %arg10[%mul3A_98] : memref<50176xf32, #tpu.memory_space<hbm>> -> memref<3136xf32, #tpu.memory_space<hbm>>
        %dma_start3A_111 = tpu.memref_slice %arg10[%mul3A_98] : memref<50176xf32, #tpu.memory_space<hbm>> -> memref<3136xf32, #tpu.memory_space<hbm>>
        tpu.enqueue_dma source(%arg24 : memref<3136xf32, #tpu.memory_space<vmem>>) target(%dma_start3A_111 : memref<3136xf32, #tpu.memory_space<hbm>>) target_semaphore(%run_scoped3A : memref<!tpu.dma_semaphore, #tpu.memory_space<semaphore_mem>>)
        %dma_wait3A = tpu.memref_slice %arg10[%mul3A_98] : memref<50176xf32, #tpu.memory_space<hbm>> -> memref<3136xf32, #tpu.memory_space<hbm>>
        %dma_wait3A_112 = tpu.memref_slice %arg10[%mul3A_98] : memref<50176xf32, #tpu.memory_space<hbm>> -> memref<3136xf32, #tpu.memory_space<hbm>>
        tpu.wait_dma2 semaphore(%run_scoped3A : memref<!tpu.dma_semaphore, #tpu.memory_space<semaphore_mem>>) src(%arg24 : memref<3136xf32, #tpu.memory_space<vmem>>) dst(%dma_wait3A_112 : memref<3136xf32, #tpu.memory_space<hbm>>)
        tpu.yield
      }) : () -> ()
      %mul3A_99 = arith.constant 3136 : i32
      %mul3A_100 = arith.muli %arg1, %mul3A_99 : i32
      "tpu.region"() ({
        %run_scoped3A = tpu.sem_alloc : memref<!tpu.dma_semaphore, #tpu.memory_space<semaphore_mem>>
        %dma_start3A = tpu.memref_slice %arg19[%mul3A_100] : memref<50176xf32, #tpu.memory_space<vmem_shared>> -> memref<3136xf32, #tpu.memory_space<vmem_shared>>
        %dma_start3A_111 = tpu.memref_slice %arg19[%mul3A_100] : memref<50176xf32, #tpu.memory_space<vmem_shared>> -> memref<3136xf32, #tpu.memory_space<vmem_shared>>
        tpu.enqueue_dma source(%dma_start3A_111 : memref<3136xf32, #tpu.memory_space<vmem_shared>>) target(%arg24 : memref<3136xf32, #tpu.memory_space<vmem>>) target_semaphore(%run_scoped3A : memref<!tpu.dma_semaphore, #tpu.memory_space<semaphore_mem>>)
        %dma_wait3A = tpu.memref_slice %arg19[%mul3A_100] : memref<50176xf32, #tpu.memory_space<vmem_shared>> -> memref<3136xf32, #tpu.memory_space<vmem_shared>>
        %dma_wait3A_112 = tpu.memref_slice %arg19[%mul3A_100] : memref<50176xf32, #tpu.memory_space<vmem_shared>> -> memref<3136xf32, #tpu.memory_space<vmem_shared>>
        tpu.wait_dma2 semaphore(%run_scoped3A : memref<!tpu.dma_semaphore, #tpu.memory_space<semaphore_mem>>) src(%dma_wait3A_112 : memref<3136xf32, #tpu.memory_space<vmem_shared>>) dst(%arg24 : memref<3136xf32, #tpu.memory_space<vmem>>)
        tpu.yield
      }) : () -> ()
      %mul3A_101 = arith.constant 3136 : i32
      %mul3A_102 = arith.muli %arg1, %mul3A_101 : i32
      "tpu.region"() ({
        %run_scoped3A = tpu.sem_alloc : memref<!tpu.dma_semaphore, #tpu.memory_space<semaphore_mem>>
        %dma_start3A = tpu.memref_slice %arg11[%mul3A_102] : memref<50176xf32, #tpu.memory_space<hbm>> -> memref<3136xf32, #tpu.memory_space<hbm>>
        %dma_start3A_111 = tpu.memref_slice %arg11[%mul3A_102] : memref<50176xf32, #tpu.memory_space<hbm>> -> memref<3136xf32, #tpu.memory_space<hbm>>
        tpu.enqueue_dma source(%arg24 : memref<3136xf32, #tpu.memory_space<vmem>>) target(%dma_start3A_111 : memref<3136xf32, #tpu.memory_space<hbm>>) target_semaphore(%run_scoped3A : memref<!tpu.dma_semaphore, #tpu.memory_space<semaphore_mem>>)
        %dma_wait3A = tpu.memref_slice %arg11[%mul3A_102] : memref<50176xf32, #tpu.memory_space<hbm>> -> memref<3136xf32, #tpu.memory_space<hbm>>
        %dma_wait3A_112 = tpu.memref_slice %arg11[%mul3A_102] : memref<50176xf32, #tpu.memory_space<hbm>> -> memref<3136xf32, #tpu.memory_space<hbm>>
        tpu.wait_dma2 semaphore(%run_scoped3A : memref<!tpu.dma_semaphore, #tpu.memory_space<semaphore_mem>>) src(%arg24 : memref<3136xf32, #tpu.memory_space<vmem>>) dst(%dma_wait3A_112 : memref<3136xf32, #tpu.memory_space<hbm>>)
        tpu.yield
      }) : () -> ()
      %mul3A_103 = arith.constant 3136 : i32
      %mul3A_104 = arith.muli %arg1, %mul3A_103 : i32
      "tpu.region"() ({
        %run_scoped3A = tpu.sem_alloc : memref<!tpu.dma_semaphore, #tpu.memory_space<semaphore_mem>>
        %dma_start3A = tpu.memref_slice %arg20[%mul3A_104] : memref<50176xf32, #tpu.memory_space<vmem_shared>> -> memref<3136xf32, #tpu.memory_space<vmem_shared>>
        %dma_start3A_111 = tpu.memref_slice %arg20[%mul3A_104] : memref<50176xf32, #tpu.memory_space<vmem_shared>> -> memref<3136xf32, #tpu.memory_space<vmem_shared>>
        tpu.enqueue_dma source(%dma_start3A_111 : memref<3136xf32, #tpu.memory_space<vmem_shared>>) target(%arg24 : memref<3136xf32, #tpu.memory_space<vmem>>) target_semaphore(%run_scoped3A : memref<!tpu.dma_semaphore, #tpu.memory_space<semaphore_mem>>)
        %dma_wait3A = tpu.memref_slice %arg20[%mul3A_104] : memref<50176xf32, #tpu.memory_space<vmem_shared>> -> memref<3136xf32, #tpu.memory_space<vmem_shared>>
        %dma_wait3A_112 = tpu.memref_slice %arg20[%mul3A_104] : memref<50176xf32, #tpu.memory_space<vmem_shared>> -> memref<3136xf32, #tpu.memory_space<vmem_shared>>
        tpu.wait_dma2 semaphore(%run_scoped3A : memref<!tpu.dma_semaphore, #tpu.memory_space<semaphore_mem>>) src(%dma_wait3A_112 : memref<3136xf32, #tpu.memory_space<vmem_shared>>) dst(%arg24 : memref<3136xf32, #tpu.memory_space<vmem>>)
        tpu.yield
      }) : () -> ()
      %mul3A_105 = arith.constant 3136 : i32
      %mul3A_106 = arith.muli %arg1, %mul3A_105 : i32
      "tpu.region"() ({
        %run_scoped3A = tpu.sem_alloc : memref<!tpu.dma_semaphore, #tpu.memory_space<semaphore_mem>>
        %dma_start3A = tpu.memref_slice %arg12[%mul3A_106] : memref<50176xf32, #tpu.memory_space<hbm>> -> memref<3136xf32, #tpu.memory_space<hbm>>
        %dma_start3A_111 = tpu.memref_slice %arg12[%mul3A_106] : memref<50176xf32, #tpu.memory_space<hbm>> -> memref<3136xf32, #tpu.memory_space<hbm>>
        tpu.enqueue_dma source(%arg24 : memref<3136xf32, #tpu.memory_space<vmem>>) target(%dma_start3A_111 : memref<3136xf32, #tpu.memory_space<hbm>>) target_semaphore(%run_scoped3A : memref<!tpu.dma_semaphore, #tpu.memory_space<semaphore_mem>>)
        %dma_wait3A = tpu.memref_slice %arg12[%mul3A_106] : memref<50176xf32, #tpu.memory_space<hbm>> -> memref<3136xf32, #tpu.memory_space<hbm>>
        %dma_wait3A_112 = tpu.memref_slice %arg12[%mul3A_106] : memref<50176xf32, #tpu.memory_space<hbm>> -> memref<3136xf32, #tpu.memory_space<hbm>>
        tpu.wait_dma2 semaphore(%run_scoped3A : memref<!tpu.dma_semaphore, #tpu.memory_space<semaphore_mem>>) src(%arg24 : memref<3136xf32, #tpu.memory_space<vmem>>) dst(%dma_wait3A_112 : memref<3136xf32, #tpu.memory_space<hbm>>)
        tpu.yield
      }) : () -> ()
      %mul3A_107 = arith.constant 3136 : i32
      %mul3A_108 = arith.muli %arg1, %mul3A_107 : i32
      "tpu.region"() ({
        %run_scoped3A = tpu.sem_alloc : memref<!tpu.dma_semaphore, #tpu.memory_space<semaphore_mem>>
        %dma_start3A = tpu.memref_slice %arg21[%mul3A_108] : memref<50176xf32, #tpu.memory_space<vmem_shared>> -> memref<3136xf32, #tpu.memory_space<vmem_shared>>
        %dma_start3A_111 = tpu.memref_slice %arg21[%mul3A_108] : memref<50176xf32, #tpu.memory_space<vmem_shared>> -> memref<3136xf32, #tpu.memory_space<vmem_shared>>
        tpu.enqueue_dma source(%dma_start3A_111 : memref<3136xf32, #tpu.memory_space<vmem_shared>>) target(%arg24 : memref<3136xf32, #tpu.memory_space<vmem>>) target_semaphore(%run_scoped3A : memref<!tpu.dma_semaphore, #tpu.memory_space<semaphore_mem>>)
        %dma_wait3A = tpu.memref_slice %arg21[%mul3A_108] : memref<50176xf32, #tpu.memory_space<vmem_shared>> -> memref<3136xf32, #tpu.memory_space<vmem_shared>>
        %dma_wait3A_112 = tpu.memref_slice %arg21[%mul3A_108] : memref<50176xf32, #tpu.memory_space<vmem_shared>> -> memref<3136xf32, #tpu.memory_space<vmem_shared>>
        tpu.wait_dma2 semaphore(%run_scoped3A : memref<!tpu.dma_semaphore, #tpu.memory_space<semaphore_mem>>) src(%dma_wait3A_112 : memref<3136xf32, #tpu.memory_space<vmem_shared>>) dst(%arg24 : memref<3136xf32, #tpu.memory_space<vmem>>)
        tpu.yield
      }) : () -> ()
      %mul3A_109 = arith.constant 3136 : i32
      %mul3A_110 = arith.muli %arg1, %mul3A_109 : i32
      "tpu.region"() ({
        %run_scoped3A = tpu.sem_alloc : memref<!tpu.dma_semaphore, #tpu.memory_space<semaphore_mem>>
        %dma_start3A = tpu.memref_slice %arg13[%mul3A_110] : memref<50176xf32, #tpu.memory_space<hbm>> -> memref<3136xf32, #tpu.memory_space<hbm>>
        %dma_start3A_111 = tpu.memref_slice %arg13[%mul3A_110] : memref<50176xf32, #tpu.memory_space<hbm>> -> memref<3136xf32, #tpu.memory_space<hbm>>
        tpu.enqueue_dma source(%arg24 : memref<3136xf32, #tpu.memory_space<vmem>>) target(%dma_start3A_111 : memref<3136xf32, #tpu.memory_space<hbm>>) target_semaphore(%run_scoped3A : memref<!tpu.dma_semaphore, #tpu.memory_space<semaphore_mem>>)
        %dma_wait3A = tpu.memref_slice %arg13[%mul3A_110] : memref<50176xf32, #tpu.memory_space<hbm>> -> memref<3136xf32, #tpu.memory_space<hbm>>
        %dma_wait3A_112 = tpu.memref_slice %arg13[%mul3A_110] : memref<50176xf32, #tpu.memory_space<hbm>> -> memref<3136xf32, #tpu.memory_space<hbm>>
        tpu.wait_dma2 semaphore(%run_scoped3A : memref<!tpu.dma_semaphore, #tpu.memory_space<semaphore_mem>>) src(%arg24 : memref<3136xf32, #tpu.memory_space<vmem>>) dst(%dma_wait3A_112 : memref<3136xf32, #tpu.memory_space<hbm>>)
        tpu.yield
      }) : () -> ()
    } else {
    }
    %eq3A_25 = arith.constant 1 : i32
    %eq3A_26 = arith.cmpi eq, %arg0, %eq3A_25 : i32
    %convert_element_type3A_27 = arith.extui %eq3A_26 : i1 to i32
    %cond3A_28 = arith.constant 0 : i32
    %cond3A_29 = arith.cmpi ne, %convert_element_type3A_27, %cond3A_28 : i32
    scf.if %cond3A_29 {
      %mul3A_30 = arith.constant 74 : i32
      %mul3A_31 = arith.muli %arg1, %mul3A_30 : i32
      "tpu.region"() ({
        %run_scoped3A = tpu.sem_alloc : memref<!tpu.dma_semaphore, #tpu.memory_space<semaphore_mem>>
        %dma_start3A = arith.constant 0 : i32
        %dma_start3A_111 = arith.constant 0 : i32
        %dma_start3A_112 = tpu.memref_slice %arg6[%mul3A_31, %dma_start3A, %dma_start3A_111] : memref<1184x1x128xi32, #tpu.memory_space<hbm>> -> memref<74x1x128xi32, #tpu.memory_space<hbm>>
        %dma_start3A_113 = arith.constant 0 : i32
        %dma_start3A_114 = arith.constant 0 : i32
        %dma_start3A_115 = tpu.memref_slice %arg6[%mul3A_31, %dma_start3A_113, %dma_start3A_114] : memref<1184x1x128xi32, #tpu.memory_space<hbm>> -> memref<74x1x128xi32, #tpu.memory_space<hbm>>
        tpu.enqueue_dma source(%dma_start3A_115 : memref<74x1x128xi32, #tpu.memory_space<hbm>>) target(%arg22 : memref<74x1x128xi32, #tpu.memory_space<vmem>>) target_semaphore(%run_scoped3A : memref<!tpu.dma_semaphore, #tpu.memory_space<semaphore_mem>>)
        %dma_wait3A = arith.constant 0 : i32
        %dma_wait3A_116 = arith.constant 0 : i32
        %dma_wait3A_117 = tpu.memref_slice %arg6[%mul3A_31, %dma_wait3A, %dma_wait3A_116] : memref<1184x1x128xi32, #tpu.memory_space<hbm>> -> memref<74x1x128xi32, #tpu.memory_space<hbm>>
        %dma_wait3A_118 = arith.constant 0 : i32
        %dma_wait3A_119 = arith.constant 0 : i32
        %dma_wait3A_120 = tpu.memref_slice %arg6[%mul3A_31, %dma_wait3A_118, %dma_wait3A_119] : memref<1184x1x128xi32, #tpu.memory_space<hbm>> -> memref<74x1x128xi32, #tpu.memory_space<hbm>>
        tpu.wait_dma2 semaphore(%run_scoped3A : memref<!tpu.dma_semaphore, #tpu.memory_space<semaphore_mem>>) src(%dma_wait3A_120 : memref<74x1x128xi32, #tpu.memory_space<hbm>>) dst(%arg22 : memref<74x1x128xi32, #tpu.memory_space<vmem>>)
        tpu.yield
      }) : () -> ()
      %scan3A_32 = arith.constant 0 : i32
      %scan3A_33 = arith.constant 0 : i32
      %scan3A_34 = arith.constant 74 : i32
      %scan3A_35 = arith.addi %scan3A_33, %scan3A_34 : i32
      %scan3A_36 = arith.constant 1 : i32
      %scan3A_37 = scf.for %scan3A_111 = %scan3A_33 to %scan3A_35 step %scan3A_36 iter_args(%scan3A_112 = %scan3A_32) -> (i32)  : i32 {
        %dma_start3A = arith.constant 0 : i32
        %dma_start3A_113 = arith.constant 0 : i32
        %dma_start3A_114 = tpu.memref_slice %arg22[%scan3A_111, %dma_start3A, %dma_start3A_113] : memref<74x1x128xi32, #tpu.memory_space<vmem>> -> memref<1x1x128xi32, #tpu.memory_space<vmem>>
        %dma_start3A_115 = tpu.memref_squeeze %dma_start3A_114 : memref<1x1x128xi32, #tpu.memory_space<vmem>> -> memref<128xi32, #tpu.memory_space<vmem>>
        %dma_start3A_116 = arith.constant 0 : i32
        %dma_start3A_117 = tpu.memref_slice %arg18[%dma_start3A_116] : memref<50176xf32, #tpu.memory_space<vmem_shared>> -> memref<50176xf32, #tpu.memory_space<vmem_shared>>
        tpu.enqueue_indirect_dma source(%arg23 : memref<128xf32, #tpu.memory_space<vmem>>) target(%dma_start3A_117 : memref<50176xf32, #tpu.memory_space<vmem_shared>>) offsets(%dma_start3A_115 : memref<128xi32, #tpu.memory_space<vmem>>) semaphore(%arg25 : memref<!tpu.dma_semaphore, #tpu.memory_space<semaphore_mem>>) {add = true}
        %scan3A_118 = arith.constant 0 : i32
        scf.yield %scan3A_118 : i32
      }
      %scan3A_38 = arith.constant 74 : i32
      %scan3A_39 = arith.constant 0 : i32
      %scan3A_40 = arith.constant 0 : i32
      %scan3A_41 = arith.constant 74 : i32
      %scan3A_42 = arith.addi %scan3A_40, %scan3A_41 : i32
      %scan3A_43 = arith.constant 1 : i32
      %scan3A_44 = scf.for %scan3A_111 = %scan3A_40 to %scan3A_42 step %scan3A_43 iter_args(%scan3A_112 = %scan3A_39) -> (i32)  : i32 {
        %dma_wait3A = arith.constant 0 : i32
        %dma_wait3A_113 = arith.constant 0 : i32
        %dma_wait3A_114 = tpu.memref_slice %arg22[%scan3A_111, %dma_wait3A, %dma_wait3A_113] : memref<74x1x128xi32, #tpu.memory_space<vmem>> -> memref<1x1x128xi32, #tpu.memory_space<vmem>>
        %dma_wait3A_115 = tpu.memref_squeeze %dma_wait3A_114 : memref<1x1x128xi32, #tpu.memory_space<vmem>> -> memref<128xi32, #tpu.memory_space<vmem>>
        %dma_wait3A_116 = arith.constant 0 : i32
        %dma_wait3A_117 = tpu.memref_slice %arg18[%dma_wait3A_116] : memref<50176xf32, #tpu.memory_space<vmem_shared>> -> memref<50176xf32, #tpu.memory_space<vmem_shared>>
        tpu.wait_indirect_dma semaphore(%arg25 : memref<!tpu.dma_semaphore, #tpu.memory_space<semaphore_mem>>) src(%arg23 : memref<128xf32, #tpu.memory_space<vmem>>) dst(%dma_wait3A_117 : memref<50176xf32, #tpu.memory_space<vmem_shared>>)
        %scan3A_118 = arith.constant 0 : i32
        scf.yield %scan3A_118 : i32
      }
      %scan3A_45 = arith.constant 74 : i32
      %mul3A_46 = arith.constant 74 : i32
      %mul3A_47 = arith.muli %arg1, %mul3A_46 : i32
      "tpu.region"() ({
        %run_scoped3A = tpu.sem_alloc : memref<!tpu.dma_semaphore, #tpu.memory_space<semaphore_mem>>
        %dma_start3A = arith.constant 0 : i32
        %dma_start3A_111 = arith.constant 0 : i32
        %dma_start3A_112 = tpu.memref_slice %arg7[%mul3A_47, %dma_start3A, %dma_start3A_111] : memref<1184x1x128xi32, #tpu.memory_space<hbm>> -> memref<74x1x128xi32, #tpu.memory_space<hbm>>
        %dma_start3A_113 = arith.constant 0 : i32
        %dma_start3A_114 = arith.constant 0 : i32
        %dma_start3A_115 = tpu.memref_slice %arg7[%mul3A_47, %dma_start3A_113, %dma_start3A_114] : memref<1184x1x128xi32, #tpu.memory_space<hbm>> -> memref<74x1x128xi32, #tpu.memory_space<hbm>>
        tpu.enqueue_dma source(%dma_start3A_115 : memref<74x1x128xi32, #tpu.memory_space<hbm>>) target(%arg22 : memref<74x1x128xi32, #tpu.memory_space<vmem>>) target_semaphore(%run_scoped3A : memref<!tpu.dma_semaphore, #tpu.memory_space<semaphore_mem>>)
        %dma_wait3A = arith.constant 0 : i32
        %dma_wait3A_116 = arith.constant 0 : i32
        %dma_wait3A_117 = tpu.memref_slice %arg7[%mul3A_47, %dma_wait3A, %dma_wait3A_116] : memref<1184x1x128xi32, #tpu.memory_space<hbm>> -> memref<74x1x128xi32, #tpu.memory_space<hbm>>
        %dma_wait3A_118 = arith.constant 0 : i32
        %dma_wait3A_119 = arith.constant 0 : i32
        %dma_wait3A_120 = tpu.memref_slice %arg7[%mul3A_47, %dma_wait3A_118, %dma_wait3A_119] : memref<1184x1x128xi32, #tpu.memory_space<hbm>> -> memref<74x1x128xi32, #tpu.memory_space<hbm>>
        tpu.wait_dma2 semaphore(%run_scoped3A : memref<!tpu.dma_semaphore, #tpu.memory_space<semaphore_mem>>) src(%dma_wait3A_120 : memref<74x1x128xi32, #tpu.memory_space<hbm>>) dst(%arg22 : memref<74x1x128xi32, #tpu.memory_space<vmem>>)
        tpu.yield
      }) : () -> ()
      %scan3A_48 = arith.constant 0 : i32
      %scan3A_49 = arith.constant 0 : i32
      %scan3A_50 = arith.constant 74 : i32
      %scan3A_51 = arith.addi %scan3A_49, %scan3A_50 : i32
      %scan3A_52 = arith.constant 1 : i32
      %scan3A_53 = scf.for %scan3A_111 = %scan3A_49 to %scan3A_51 step %scan3A_52 iter_args(%scan3A_112 = %scan3A_48) -> (i32)  : i32 {
        %dma_start3A = arith.constant 0 : i32
        %dma_start3A_113 = arith.constant 0 : i32
        %dma_start3A_114 = tpu.memref_slice %arg22[%scan3A_111, %dma_start3A, %dma_start3A_113] : memref<74x1x128xi32, #tpu.memory_space<vmem>> -> memref<1x1x128xi32, #tpu.memory_space<vmem>>
        %dma_start3A_115 = tpu.memref_squeeze %dma_start3A_114 : memref<1x1x128xi32, #tpu.memory_space<vmem>> -> memref<128xi32, #tpu.memory_space<vmem>>
        %dma_start3A_116 = arith.constant 0 : i32
        %dma_start3A_117 = tpu.memref_slice %arg19[%dma_start3A_116] : memref<50176xf32, #tpu.memory_space<vmem_shared>> -> memref<50176xf32, #tpu.memory_space<vmem_shared>>
        tpu.enqueue_indirect_dma source(%arg23 : memref<128xf32, #tpu.memory_space<vmem>>) target(%dma_start3A_117 : memref<50176xf32, #tpu.memory_space<vmem_shared>>) offsets(%dma_start3A_115 : memref<128xi32, #tpu.memory_space<vmem>>) semaphore(%arg25 : memref<!tpu.dma_semaphore, #tpu.memory_space<semaphore_mem>>) {add = true}
        %scan3A_118 = arith.constant 0 : i32
        scf.yield %scan3A_118 : i32
      }
      %scan3A_54 = arith.constant 74 : i32
      %scan3A_55 = arith.constant 0 : i32
      %scan3A_56 = arith.constant 0 : i32
      %scan3A_57 = arith.constant 74 : i32
      %scan3A_58 = arith.addi %scan3A_56, %scan3A_57 : i32
      %scan3A_59 = arith.constant 1 : i32
      %scan3A_60 = scf.for %scan3A_111 = %scan3A_56 to %scan3A_58 step %scan3A_59 iter_args(%scan3A_112 = %scan3A_55) -> (i32)  : i32 {
        %dma_wait3A = arith.constant 0 : i32
        %dma_wait3A_113 = arith.constant 0 : i32
        %dma_wait3A_114 = tpu.memref_slice %arg22[%scan3A_111, %dma_wait3A, %dma_wait3A_113] : memref<74x1x128xi32, #tpu.memory_space<vmem>> -> memref<1x1x128xi32, #tpu.memory_space<vmem>>
        %dma_wait3A_115 = tpu.memref_squeeze %dma_wait3A_114 : memref<1x1x128xi32, #tpu.memory_space<vmem>> -> memref<128xi32, #tpu.memory_space<vmem>>
        %dma_wait3A_116 = arith.constant 0 : i32
        %dma_wait3A_117 = tpu.memref_slice %arg19[%dma_wait3A_116] : memref<50176xf32, #tpu.memory_space<vmem_shared>> -> memref<50176xf32, #tpu.memory_space<vmem_shared>>
        tpu.wait_indirect_dma semaphore(%arg25 : memref<!tpu.dma_semaphore, #tpu.memory_space<semaphore_mem>>) src(%arg23 : memref<128xf32, #tpu.memory_space<vmem>>) dst(%dma_wait3A_117 : memref<50176xf32, #tpu.memory_space<vmem_shared>>)
        %scan3A_118 = arith.constant 0 : i32
        scf.yield %scan3A_118 : i32
      }
      %scan3A_61 = arith.constant 74 : i32
      %mul3A_62 = arith.constant 74 : i32
      %mul3A_63 = arith.muli %arg1, %mul3A_62 : i32
      "tpu.region"() ({
        %run_scoped3A = tpu.sem_alloc : memref<!tpu.dma_semaphore, #tpu.memory_space<semaphore_mem>>
        %dma_start3A = arith.constant 0 : i32
        %dma_start3A_111 = arith.constant 0 : i32
        %dma_start3A_112 = tpu.memref_slice %arg8[%mul3A_63, %dma_start3A, %dma_start3A_111] : memref<1184x1x128xi32, #tpu.memory_space<hbm>> -> memref<74x1x128xi32, #tpu.memory_space<hbm>>
        %dma_start3A_113 = arith.constant 0 : i32
        %dma_start3A_114 = arith.constant 0 : i32
        %dma_start3A_115 = tpu.memref_slice %arg8[%mul3A_63, %dma_start3A_113, %dma_start3A_114] : memref<1184x1x128xi32, #tpu.memory_space<hbm>> -> memref<74x1x128xi32, #tpu.memory_space<hbm>>
        tpu.enqueue_dma source(%dma_start3A_115 : memref<74x1x128xi32, #tpu.memory_space<hbm>>) target(%arg22 : memref<74x1x128xi32, #tpu.memory_space<vmem>>) target_semaphore(%run_scoped3A : memref<!tpu.dma_semaphore, #tpu.memory_space<semaphore_mem>>)
        %dma_wait3A = arith.constant 0 : i32
        %dma_wait3A_116 = arith.constant 0 : i32
        %dma_wait3A_117 = tpu.memref_slice %arg8[%mul3A_63, %dma_wait3A, %dma_wait3A_116] : memref<1184x1x128xi32, #tpu.memory_space<hbm>> -> memref<74x1x128xi32, #tpu.memory_space<hbm>>
        %dma_wait3A_118 = arith.constant 0 : i32
        %dma_wait3A_119 = arith.constant 0 : i32
        %dma_wait3A_120 = tpu.memref_slice %arg8[%mul3A_63, %dma_wait3A_118, %dma_wait3A_119] : memref<1184x1x128xi32, #tpu.memory_space<hbm>> -> memref<74x1x128xi32, #tpu.memory_space<hbm>>
        tpu.wait_dma2 semaphore(%run_scoped3A : memref<!tpu.dma_semaphore, #tpu.memory_space<semaphore_mem>>) src(%dma_wait3A_120 : memref<74x1x128xi32, #tpu.memory_space<hbm>>) dst(%arg22 : memref<74x1x128xi32, #tpu.memory_space<vmem>>)
        tpu.yield
      }) : () -> ()
      %scan3A_64 = arith.constant 0 : i32
      %scan3A_65 = arith.constant 0 : i32
      %scan3A_66 = arith.constant 74 : i32
      %scan3A_67 = arith.addi %scan3A_65, %scan3A_66 : i32
      %scan3A_68 = arith.constant 1 : i32
      %scan3A_69 = scf.for %scan3A_111 = %scan3A_65 to %scan3A_67 step %scan3A_68 iter_args(%scan3A_112 = %scan3A_64) -> (i32)  : i32 {
        %dma_start3A = arith.constant 0 : i32
        %dma_start3A_113 = arith.constant 0 : i32
        %dma_start3A_114 = tpu.memref_slice %arg22[%scan3A_111, %dma_start3A, %dma_start3A_113] : memref<74x1x128xi32, #tpu.memory_space<vmem>> -> memref<1x1x128xi32, #tpu.memory_space<vmem>>
        %dma_start3A_115 = tpu.memref_squeeze %dma_start3A_114 : memref<1x1x128xi32, #tpu.memory_space<vmem>> -> memref<128xi32, #tpu.memory_space<vmem>>
        %dma_start3A_116 = arith.constant 0 : i32
        %dma_start3A_117 = tpu.memref_slice %arg20[%dma_start3A_116] : memref<50176xf32, #tpu.memory_space<vmem_shared>> -> memref<50176xf32, #tpu.memory_space<vmem_shared>>
        tpu.enqueue_indirect_dma source(%arg23 : memref<128xf32, #tpu.memory_space<vmem>>) target(%dma_start3A_117 : memref<50176xf32, #tpu.memory_space<vmem_shared>>) offsets(%dma_start3A_115 : memref<128xi32, #tpu.memory_space<vmem>>) semaphore(%arg25 : memref<!tpu.dma_semaphore, #tpu.memory_space<semaphore_mem>>) {add = true}
        %scan3A_118 = arith.constant 0 : i32
        scf.yield %scan3A_118 : i32
      }
      %scan3A_70 = arith.constant 74 : i32
      %scan3A_71 = arith.constant 0 : i32
      %scan3A_72 = arith.constant 0 : i32
      %scan3A_73 = arith.constant 74 : i32
      %scan3A_74 = arith.addi %scan3A_72, %scan3A_73 : i32
      %scan3A_75 = arith.constant 1 : i32
      %scan3A_76 = scf.for %scan3A_111 = %scan3A_72 to %scan3A_74 step %scan3A_75 iter_args(%scan3A_112 = %scan3A_71) -> (i32)  : i32 {
        %dma_wait3A = arith.constant 0 : i32
        %dma_wait3A_113 = arith.constant 0 : i32
        %dma_wait3A_114 = tpu.memref_slice %arg22[%scan3A_111, %dma_wait3A, %dma_wait3A_113] : memref<74x1x128xi32, #tpu.memory_space<vmem>> -> memref<1x1x128xi32, #tpu.memory_space<vmem>>
        %dma_wait3A_115 = tpu.memref_squeeze %dma_wait3A_114 : memref<1x1x128xi32, #tpu.memory_space<vmem>> -> memref<128xi32, #tpu.memory_space<vmem>>
        %dma_wait3A_116 = arith.constant 0 : i32
        %dma_wait3A_117 = tpu.memref_slice %arg20[%dma_wait3A_116] : memref<50176xf32, #tpu.memory_space<vmem_shared>> -> memref<50176xf32, #tpu.memory_space<vmem_shared>>
        tpu.wait_indirect_dma semaphore(%arg25 : memref<!tpu.dma_semaphore, #tpu.memory_space<semaphore_mem>>) src(%arg23 : memref<128xf32, #tpu.memory_space<vmem>>) dst(%dma_wait3A_117 : memref<50176xf32, #tpu.memory_space<vmem_shared>>)
        %scan3A_118 = arith.constant 0 : i32
        scf.yield %scan3A_118 : i32
      }
      %scan3A_77 = arith.constant 74 : i32
      %mul3A_78 = arith.constant 74 : i32
      %mul3A_79 = arith.muli %arg1, %mul3A_78 : i32
      "tpu.region"() ({
        %run_scoped3A = tpu.sem_alloc : memref<!tpu.dma_semaphore, #tpu.memory_space<semaphore_mem>>
        %dma_start3A = arith.constant 0 : i32
        %dma_start3A_111 = arith.constant 0 : i32
        %dma_start3A_112 = tpu.memref_slice %arg9[%mul3A_79, %dma_start3A, %dma_start3A_111] : memref<1184x1x128xi32, #tpu.memory_space<hbm>> -> memref<74x1x128xi32, #tpu.memory_space<hbm>>
        %dma_start3A_113 = arith.constant 0 : i32
        %dma_start3A_114 = arith.constant 0 : i32
        %dma_start3A_115 = tpu.memref_slice %arg9[%mul3A_79, %dma_start3A_113, %dma_start3A_114] : memref<1184x1x128xi32, #tpu.memory_space<hbm>> -> memref<74x1x128xi32, #tpu.memory_space<hbm>>
        tpu.enqueue_dma source(%dma_start3A_115 : memref<74x1x128xi32, #tpu.memory_space<hbm>>) target(%arg22 : memref<74x1x128xi32, #tpu.memory_space<vmem>>) target_semaphore(%run_scoped3A : memref<!tpu.dma_semaphore, #tpu.memory_space<semaphore_mem>>)
        %dma_wait3A = arith.constant 0 : i32
        %dma_wait3A_116 = arith.constant 0 : i32
        %dma_wait3A_117 = tpu.memref_slice %arg9[%mul3A_79, %dma_wait3A, %dma_wait3A_116] : memref<1184x1x128xi32, #tpu.memory_space<hbm>> -> memref<74x1x128xi32, #tpu.memory_space<hbm>>
        %dma_wait3A_118 = arith.constant 0 : i32
        %dma_wait3A_119 = arith.constant 0 : i32
        %dma_wait3A_120 = tpu.memref_slice %arg9[%mul3A_79, %dma_wait3A_118, %dma_wait3A_119] : memref<1184x1x128xi32, #tpu.memory_space<hbm>> -> memref<74x1x128xi32, #tpu.memory_space<hbm>>
        tpu.wait_dma2 semaphore(%run_scoped3A : memref<!tpu.dma_semaphore, #tpu.memory_space<semaphore_mem>>) src(%dma_wait3A_120 : memref<74x1x128xi32, #tpu.memory_space<hbm>>) dst(%arg22 : memref<74x1x128xi32, #tpu.memory_space<vmem>>)
        tpu.yield
      }) : () -> ()
      %scan3A_80 = arith.constant 0 : i32
      %scan3A_81 = arith.constant 0 : i32
      %scan3A_82 = arith.constant 74 : i32
      %scan3A_83 = arith.addi %scan3A_81, %scan3A_82 : i32
      %scan3A_84 = arith.constant 1 : i32
      %scan3A_85 = scf.for %scan3A_111 = %scan3A_81 to %scan3A_83 step %scan3A_84 iter_args(%scan3A_112 = %scan3A_80) -> (i32)  : i32 {
        %dma_start3A = arith.constant 0 : i32
        %dma_start3A_113 = arith.constant 0 : i32
        %dma_start3A_114 = tpu.memref_slice %arg22[%scan3A_111, %dma_start3A, %dma_start3A_113] : memref<74x1x128xi32, #tpu.memory_space<vmem>> -> memref<1x1x128xi32, #tpu.memory_space<vmem>>
        %dma_start3A_115 = tpu.memref_squeeze %dma_start3A_114 : memref<1x1x128xi32, #tpu.memory_space<vmem>> -> memref<128xi32, #tpu.memory_space<vmem>>
        %dma_start3A_116 = arith.constant 0 : i32
        %dma_start3A_117 = tpu.memref_slice %arg21[%dma_start3A_116] : memref<50176xf32, #tpu.memory_space<vmem_shared>> -> memref<50176xf32, #tpu.memory_space<vmem_shared>>
        tpu.enqueue_indirect_dma source(%arg23 : memref<128xf32, #tpu.memory_space<vmem>>) target(%dma_start3A_117 : memref<50176xf32, #tpu.memory_space<vmem_shared>>) offsets(%dma_start3A_115 : memref<128xi32, #tpu.memory_space<vmem>>) semaphore(%arg25 : memref<!tpu.dma_semaphore, #tpu.memory_space<semaphore_mem>>) {add = true}
        %scan3A_118 = arith.constant 0 : i32
        scf.yield %scan3A_118 : i32
      }
      %scan3A_86 = arith.constant 74 : i32
      %scan3A_87 = arith.constant 0 : i32
      %scan3A_88 = arith.constant 0 : i32
      %scan3A_89 = arith.constant 74 : i32
      %scan3A_90 = arith.addi %scan3A_88, %scan3A_89 : i32
      %scan3A_91 = arith.constant 1 : i32
      %scan3A_92 = scf.for %scan3A_111 = %scan3A_88 to %scan3A_90 step %scan3A_91 iter_args(%scan3A_112 = %scan3A_87) -> (i32)  : i32 {
        %dma_wait3A = arith.constant 0 : i32
        %dma_wait3A_113 = arith.constant 0 : i32
        %dma_wait3A_114 = tpu.memref_slice %arg22[%scan3A_111, %dma_wait3A, %dma_wait3A_113] : memref<74x1x128xi32, #tpu.memory_space<vmem>> -> memref<1x1x128xi32, #tpu.memory_space<vmem>>
        %dma_wait3A_115 = tpu.memref_squeeze %dma_wait3A_114 : memref<1x1x128xi32, #tpu.memory_space<vmem>> -> memref<128xi32, #tpu.memory_space<vmem>>
        %dma_wait3A_116 = arith.constant 0 : i32
        %dma_wait3A_117 = tpu.memref_slice %arg21[%dma_wait3A_116] : memref<50176xf32, #tpu.memory_space<vmem_shared>> -> memref<50176xf32, #tpu.memory_space<vmem_shared>>
        tpu.wait_indirect_dma semaphore(%arg25 : memref<!tpu.dma_semaphore, #tpu.memory_space<semaphore_mem>>) src(%arg23 : memref<128xf32, #tpu.memory_space<vmem>>) dst(%dma_wait3A_117 : memref<50176xf32, #tpu.memory_space<vmem_shared>>)
        %scan3A_118 = arith.constant 0 : i32
        scf.yield %scan3A_118 : i32
      }
      %scan3A_93 = arith.constant 74 : i32
      %barrier3A_94 = arith.constant 0 : index
      tpu.barrier barrier_id(%barrier3A_94)
      %mul3A_95 = arith.constant 3136 : i32
      %mul3A_96 = arith.muli %arg1, %mul3A_95 : i32
      "tpu.region"() ({
        %run_scoped3A = tpu.sem_alloc : memref<!tpu.dma_semaphore, #tpu.memory_space<semaphore_mem>>
        %dma_start3A = tpu.memref_slice %arg18[%mul3A_96] : memref<50176xf32, #tpu.memory_space<vmem_shared>> -> memref<3136xf32, #tpu.memory_space<vmem_shared>>
        %dma_start3A_111 = tpu.memref_slice %arg18[%mul3A_96] : memref<50176xf32, #tpu.memory_space<vmem_shared>> -> memref<3136xf32, #tpu.memory_space<vmem_shared>>
        tpu.enqueue_dma source(%dma_start3A_111 : memref<3136xf32, #tpu.memory_space<vmem_shared>>) target(%arg24 : memref<3136xf32, #tpu.memory_space<vmem>>) target_semaphore(%run_scoped3A : memref<!tpu.dma_semaphore, #tpu.memory_space<semaphore_mem>>)
        %dma_wait3A = tpu.memref_slice %arg18[%mul3A_96] : memref<50176xf32, #tpu.memory_space<vmem_shared>> -> memref<3136xf32, #tpu.memory_space<vmem_shared>>
        %dma_wait3A_112 = tpu.memref_slice %arg18[%mul3A_96] : memref<50176xf32, #tpu.memory_space<vmem_shared>> -> memref<3136xf32, #tpu.memory_space<vmem_shared>>
        tpu.wait_dma2 semaphore(%run_scoped3A : memref<!tpu.dma_semaphore, #tpu.memory_space<semaphore_mem>>) src(%dma_wait3A_112 : memref<3136xf32, #tpu.memory_space<vmem_shared>>) dst(%arg24 : memref<3136xf32, #tpu.memory_space<vmem>>)
        tpu.yield
      }) : () -> ()
      %mul3A_97 = arith.constant 3136 : i32
      %mul3A_98 = arith.muli %arg1, %mul3A_97 : i32
      "tpu.region"() ({
        %run_scoped3A = tpu.sem_alloc : memref<!tpu.dma_semaphore, #tpu.memory_space<semaphore_mem>>
        %dma_start3A = tpu.memref_slice %arg14[%mul3A_98] : memref<50176xf32, #tpu.memory_space<hbm>> -> memref<3136xf32, #tpu.memory_space<hbm>>
        %dma_start3A_111 = tpu.memref_slice %arg14[%mul3A_98] : memref<50176xf32, #tpu.memory_space<hbm>> -> memref<3136xf32, #tpu.memory_space<hbm>>
        tpu.enqueue_dma source(%arg24 : memref<3136xf32, #tpu.memory_space<vmem>>) target(%dma_start3A_111 : memref<3136xf32, #tpu.memory_space<hbm>>) target_semaphore(%run_scoped3A : memref<!tpu.dma_semaphore, #tpu.memory_space<semaphore_mem>>)
        %dma_wait3A = tpu.memref_slice %arg14[%mul3A_98] : memref<50176xf32, #tpu.memory_space<hbm>> -> memref<3136xf32, #tpu.memory_space<hbm>>
        %dma_wait3A_112 = tpu.memref_slice %arg14[%mul3A_98] : memref<50176xf32, #tpu.memory_space<hbm>> -> memref<3136xf32, #tpu.memory_space<hbm>>
        tpu.wait_dma2 semaphore(%run_scoped3A : memref<!tpu.dma_semaphore, #tpu.memory_space<semaphore_mem>>) src(%arg24 : memref<3136xf32, #tpu.memory_space<vmem>>) dst(%dma_wait3A_112 : memref<3136xf32, #tpu.memory_space<hbm>>)
        tpu.yield
      }) : () -> ()
      %mul3A_99 = arith.constant 3136 : i32
      %mul3A_100 = arith.muli %arg1, %mul3A_99 : i32
      "tpu.region"() ({
        %run_scoped3A = tpu.sem_alloc : memref<!tpu.dma_semaphore, #tpu.memory_space<semaphore_mem>>
        %dma_start3A = tpu.memref_slice %arg19[%mul3A_100] : memref<50176xf32, #tpu.memory_space<vmem_shared>> -> memref<3136xf32, #tpu.memory_space<vmem_shared>>
        %dma_start3A_111 = tpu.memref_slice %arg19[%mul3A_100] : memref<50176xf32, #tpu.memory_space<vmem_shared>> -> memref<3136xf32, #tpu.memory_space<vmem_shared>>
        tpu.enqueue_dma source(%dma_start3A_111 : memref<3136xf32, #tpu.memory_space<vmem_shared>>) target(%arg24 : memref<3136xf32, #tpu.memory_space<vmem>>) target_semaphore(%run_scoped3A : memref<!tpu.dma_semaphore, #tpu.memory_space<semaphore_mem>>)
        %dma_wait3A = tpu.memref_slice %arg19[%mul3A_100] : memref<50176xf32, #tpu.memory_space<vmem_shared>> -> memref<3136xf32, #tpu.memory_space<vmem_shared>>
        %dma_wait3A_112 = tpu.memref_slice %arg19[%mul3A_100] : memref<50176xf32, #tpu.memory_space<vmem_shared>> -> memref<3136xf32, #tpu.memory_space<vmem_shared>>
        tpu.wait_dma2 semaphore(%run_scoped3A : memref<!tpu.dma_semaphore, #tpu.memory_space<semaphore_mem>>) src(%dma_wait3A_112 : memref<3136xf32, #tpu.memory_space<vmem_shared>>) dst(%arg24 : memref<3136xf32, #tpu.memory_space<vmem>>)
        tpu.yield
      }) : () -> ()
      %mul3A_101 = arith.constant 3136 : i32
      %mul3A_102 = arith.muli %arg1, %mul3A_101 : i32
      "tpu.region"() ({
        %run_scoped3A = tpu.sem_alloc : memref<!tpu.dma_semaphore, #tpu.memory_space<semaphore_mem>>
        %dma_start3A = tpu.memref_slice %arg15[%mul3A_102] : memref<50176xf32, #tpu.memory_space<hbm>> -> memref<3136xf32, #tpu.memory_space<hbm>>
        %dma_start3A_111 = tpu.memref_slice %arg15[%mul3A_102] : memref<50176xf32, #tpu.memory_space<hbm>> -> memref<3136xf32, #tpu.memory_space<hbm>>
        tpu.enqueue_dma source(%arg24 : memref<3136xf32, #tpu.memory_space<vmem>>) target(%dma_start3A_111 : memref<3136xf32, #tpu.memory_space<hbm>>) target_semaphore(%run_scoped3A : memref<!tpu.dma_semaphore, #tpu.memory_space<semaphore_mem>>)
        %dma_wait3A = tpu.memref_slice %arg15[%mul3A_102] : memref<50176xf32, #tpu.memory_space<hbm>> -> memref<3136xf32, #tpu.memory_space<hbm>>
        %dma_wait3A_112 = tpu.memref_slice %arg15[%mul3A_102] : memref<50176xf32, #tpu.memory_space<hbm>> -> memref<3136xf32, #tpu.memory_space<hbm>>
        tpu.wait_dma2 semaphore(%run_scoped3A : memref<!tpu.dma_semaphore, #tpu.memory_space<semaphore_mem>>) src(%arg24 : memref<3136xf32, #tpu.memory_space<vmem>>) dst(%dma_wait3A_112 : memref<3136xf32, #tpu.memory_space<hbm>>)
        tpu.yield
      }) : () -> ()
      %mul3A_103 = arith.constant 3136 : i32
      %mul3A_104 = arith.muli %arg1, %mul3A_103 : i32
      "tpu.region"() ({
        %run_scoped3A = tpu.sem_alloc : memref<!tpu.dma_semaphore, #tpu.memory_space<semaphore_mem>>
        %dma_start3A = tpu.memref_slice %arg20[%mul3A_104] : memref<50176xf32, #tpu.memory_space<vmem_shared>> -> memref<3136xf32, #tpu.memory_space<vmem_shared>>
        %dma_start3A_111 = tpu.memref_slice %arg20[%mul3A_104] : memref<50176xf32, #tpu.memory_space<vmem_shared>> -> memref<3136xf32, #tpu.memory_space<vmem_shared>>
        tpu.enqueue_dma source(%dma_start3A_111 : memref<3136xf32, #tpu.memory_space<vmem_shared>>) target(%arg24 : memref<3136xf32, #tpu.memory_space<vmem>>) target_semaphore(%run_scoped3A : memref<!tpu.dma_semaphore, #tpu.memory_space<semaphore_mem>>)
        %dma_wait3A = tpu.memref_slice %arg20[%mul3A_104] : memref<50176xf32, #tpu.memory_space<vmem_shared>> -> memref<3136xf32, #tpu.memory_space<vmem_shared>>
        %dma_wait3A_112 = tpu.memref_slice %arg20[%mul3A_104] : memref<50176xf32, #tpu.memory_space<vmem_shared>> -> memref<3136xf32, #tpu.memory_space<vmem_shared>>
        tpu.wait_dma2 semaphore(%run_scoped3A : memref<!tpu.dma_semaphore, #tpu.memory_space<semaphore_mem>>) src(%dma_wait3A_112 : memref<3136xf32, #tpu.memory_space<vmem_shared>>) dst(%arg24 : memref<3136xf32, #tpu.memory_space<vmem>>)
        tpu.yield
      }) : () -> ()
      %mul3A_105 = arith.constant 3136 : i32
      %mul3A_106 = arith.muli %arg1, %mul3A_105 : i32
      "tpu.region"() ({
        %run_scoped3A = tpu.sem_alloc : memref<!tpu.dma_semaphore, #tpu.memory_space<semaphore_mem>>
        %dma_start3A = tpu.memref_slice %arg16[%mul3A_106] : memref<50176xf32, #tpu.memory_space<hbm>> -> memref<3136xf32, #tpu.memory_space<hbm>>
        %dma_start3A_111 = tpu.memref_slice %arg16[%mul3A_106] : memref<50176xf32, #tpu.memory_space<hbm>> -> memref<3136xf32, #tpu.memory_space<hbm>>
        tpu.enqueue_dma source(%arg24 : memref<3136xf32, #tpu.memory_space<vmem>>) target(%dma_start3A_111 : memref<3136xf32, #tpu.memory_space<hbm>>) target_semaphore(%run_scoped3A : memref<!tpu.dma_semaphore, #tpu.memory_space<semaphore_mem>>)
        %dma_wait3A = tpu.memref_slice %arg16[%mul3A_106] : memref<50176xf32, #tpu.memory_space<hbm>> -> memref<3136xf32, #tpu.memory_space<hbm>>
        %dma_wait3A_112 = tpu.memref_slice %arg16[%mul3A_106] : memref<50176xf32, #tpu.memory_space<hbm>> -> memref<3136xf32, #tpu.memory_space<hbm>>
        tpu.wait_dma2 semaphore(%run_scoped3A : memref<!tpu.dma_semaphore, #tpu.memory_space<semaphore_mem>>) src(%arg24 : memref<3136xf32, #tpu.memory_space<vmem>>) dst(%dma_wait3A_112 : memref<3136xf32, #tpu.memory_space<hbm>>)
        tpu.yield
      }) : () -> ()
      %mul3A_107 = arith.constant 3136 : i32
      %mul3A_108 = arith.muli %arg1, %mul3A_107 : i32
      "tpu.region"() ({
        %run_scoped3A = tpu.sem_alloc : memref<!tpu.dma_semaphore, #tpu.memory_space<semaphore_mem>>
        %dma_start3A = tpu.memref_slice %arg21[%mul3A_108] : memref<50176xf32, #tpu.memory_space<vmem_shared>> -> memref<3136xf32, #tpu.memory_space<vmem_shared>>
        %dma_start3A_111 = tpu.memref_slice %arg21[%mul3A_108] : memref<50176xf32, #tpu.memory_space<vmem_shared>> -> memref<3136xf32, #tpu.memory_space<vmem_shared>>
        tpu.enqueue_dma source(%dma_start3A_111 : memref<3136xf32, #tpu.memory_space<vmem_shared>>) target(%arg24 : memref<3136xf32, #tpu.memory_space<vmem>>) target_semaphore(%run_scoped3A : memref<!tpu.dma_semaphore, #tpu.memory_space<semaphore_mem>>)
        %dma_wait3A = tpu.memref_slice %arg21[%mul3A_108] : memref<50176xf32, #tpu.memory_space<vmem_shared>> -> memref<3136xf32, #tpu.memory_space<vmem_shared>>
        %dma_wait3A_112 = tpu.memref_slice %arg21[%mul3A_108] : memref<50176xf32, #tpu.memory_space<vmem_shared>> -> memref<3136xf32, #tpu.memory_space<vmem_shared>>
        tpu.wait_dma2 semaphore(%run_scoped3A : memref<!tpu.dma_semaphore, #tpu.memory_space<semaphore_mem>>) src(%dma_wait3A_112 : memref<3136xf32, #tpu.memory_space<vmem_shared>>) dst(%arg24 : memref<3136xf32, #tpu.memory_space<vmem>>)
        tpu.yield
      }) : () -> ()
      %mul3A_109 = arith.constant 3136 : i32
      %mul3A_110 = arith.muli %arg1, %mul3A_109 : i32
      "tpu.region"() ({
        %run_scoped3A = tpu.sem_alloc : memref<!tpu.dma_semaphore, #tpu.memory_space<semaphore_mem>>
        %dma_start3A = tpu.memref_slice %arg17[%mul3A_110] : memref<50176xf32, #tpu.memory_space<hbm>> -> memref<3136xf32, #tpu.memory_space<hbm>>
        %dma_start3A_111 = tpu.memref_slice %arg17[%mul3A_110] : memref<50176xf32, #tpu.memory_space<hbm>> -> memref<3136xf32, #tpu.memory_space<hbm>>
        tpu.enqueue_dma source(%arg24 : memref<3136xf32, #tpu.memory_space<vmem>>) target(%dma_start3A_111 : memref<3136xf32, #tpu.memory_space<hbm>>) target_semaphore(%run_scoped3A : memref<!tpu.dma_semaphore, #tpu.memory_space<semaphore_mem>>)
        %dma_wait3A = tpu.memref_slice %arg17[%mul3A_110] : memref<50176xf32, #tpu.memory_space<hbm>> -> memref<3136xf32, #tpu.memory_space<hbm>>
        %dma_wait3A_112 = tpu.memref_slice %arg17[%mul3A_110] : memref<50176xf32, #tpu.memory_space<hbm>> -> memref<3136xf32, #tpu.memory_space<hbm>>
        tpu.wait_dma2 semaphore(%run_scoped3A : memref<!tpu.dma_semaphore, #tpu.memory_space<semaphore_mem>>) src(%arg24 : memref<3136xf32, #tpu.memory_space<vmem>>) dst(%dma_wait3A_112 : memref<3136xf32, #tpu.memory_space<hbm>>)
        tpu.yield
      }) : () -> ()
    } else {
    }
    return
  }
}

</mosaic_0001>

<sc_bundles>
// kernel: _deg_call.3.cloned.1.call-start
scs
__scs_entry_jumppad:
0x0: {  	(pc) =	sbr.rel $0x88, $3  }
0x1: {  	(tag) =	ssettag $0x0;
	lr =	simm.s32 $0x1  }
0x2: {  	[smem:$0x3F99] =	sst lr;
	_ =	strace $0xD0000000  }
0x3: {  	_ = 	snop  }
0x4: {  	_ = 	snop  }
0x5: {  	_ = 	snop  }
0x6: {  	_ = 	snop  }
0x7: {  	_ = 	snop  }
__scs_overlays_trampoline_lowered:
0x8: {  	[smem:$0x3FA8] =	sst s0  }
0x9: {  	[smem:$0x3FA9] =	sst s1  }
0xa: {  	[smem:$0x3FAA] =	sst s2  }
0xb: {  	[smem:$0x3FAB] =	sst s3  }
0xc: {  	[smem:$0x3FAC] =	sst s4  }
0xd: {  	[smem:$0x3FAD] =	sst s5  }
0xe: {  	[smem:$0x3FAE] =	sst s6  }
0xf: {  	[smem:$0x3FAF] =	sst s7  }
0x10: {  	[smem:$0x3FB0] =	sst s8  }
0x11: {  	[smem:$0x3FB1] =	sst s9;
	s0 =	simm.s32 @!p0 $0x0  }
0x12: {  	s1 =	sld [smem:$0x3F97];
	s0 =	simm.s32 @p0 $0x1  }
0x13: {  	[smem:$0x3FB2] =	sst s0;
	s0 =	simm.s32 @!p1 $0x0  }
0x14: {  	s2 =	sld [smem:$0x3F96];
	s0 =	simm.s32 @p1 $0x1  }
0x15: {  	[smem:$0x3FB3] =	sst s0;
	s0 =	simm.s32 @!p2 $0x0  }
0x16: {  	s3 =	sld [smem:$0x3FDB];
	s0 =	simm.s32 @p2 $0x1  }
0x17: {  	s4 =	simm.s32 $0x1BF5;
	[smem:$0x3FB5] =	sst s0  }
0x18: {  	s0 =	sld [smem:$0x3F98];
	_ =	swait.ge [sflag:s4], $0x0  }
0x19: {  	s7 =	sld [smem:$0x3F99]  }
0x1a: {  	s8 =	sadd.s32 $0xFFFFE003, lr  }
0x1b: {  	s9 =	sadd.s32 $0xFFFFFEF7, lr;
	s5 =	simm.s32 $0xFFFFFFFF;
	p2 =	slt.u32 s8, $0xFFFFF086  }
0x1c: {  	p1 =	slt.u32 s9, $0xF7A;
	s5 =	simm.s32 @!p2 $0x0  }
0x1d: {  	s5 =	simm.s32 @p1 $0x1;
	p0 =	seq.s32 s7, s2  }
0x1e: {  	s7 =	smul.u32 @!p0 $0xF7A, s2;
	p2 =	seq.s32 @!p0 s5, $0x0  }
0x1f: {  	s9 =	smul.u32 $0xF7A, s1;
	s8 =	simm.s32 @!p0 $0x1BF5;
	p2 =	por !p2, p0  }
0x20: {  	[sflag:s8] =	ssyncset.s32 @!p0 $0xFFFFF086;
	s6 =	sadd.s32 @!p0 s3, s7;
	s7 =	simm.s32 @!p0 $0x108  }
0x21: {  	s3 =	sadd.s32 s3, s9;
	s6 =	sadd.s32 @!p0 $0x88, s6;
	s7 =	simm.s32 @p2 $0x1082  }
0x22: {  	[simem:s7], [sflag:s8] =	dma.local @!p0 [hbm:s6], $0xF7A  }
0x23: {  	s9 =	sor.u32 $0xD0000000, s2;
	s6 =	simm.s32 $0x108;
	_ =	swait.ge @!p0 [sflag:s8], $0x0  }
0x24: {  	s3 =	sadd.s32 $0x88, s3;
	s6 =	simm.s32 @!p1 $0x1082;
	[sflag:s4] =	ssyncset.s32 $0xFFFFF086  }
0x25: {  	[simem:s6], [sflag:s4] =	dma.local [hbm:s3], $0xF7A  }
0x26: {  	[smem:$0x3F99] =	sst s1;
	(tag) =	ssettag s2;
	_ =	strace s9  }
0x27: {  	s1 =	sld [smem:$0x3FA9]  }
0x28: {  	s2 =	sld [smem:$0x3FAA]  }
0x29: {  	s4 =	sld [smem:$0x3FAC]  }
0x2a: {  	p0 =	seq.s32 s5, $0x0;
	s5 =	sld [smem:$0x3FAD]  }
0x2b: {  	s6 =	sld [smem:$0x3FAE]  }
0x2c: {  	s7 =	sld [smem:$0x3FAF]  }
0x2d: {  	s3 =	simm.s32 $0x108;
	s8 =	sld [smem:$0x3FB0]  }
0x2e: {  	s3 =	simm.s32 @!p0 $0x1082;
	s9 =	sld [smem:$0x3FB1]  }
0x2f: {  	lr =	sadd.s32 s0, s3;
	s0 =	sld [smem:$0x3FA8]  }
0x30: {  	s3 =	sld [smem:$0x3FAB]  }
0x31: {  	[smem:$0x3FB4] =	sst s10  }
0x32: {  	s10 =	sld [smem:$0x3FB2];
	_ =	sdelay $0x3  }
0x33: {  	p0 =	seq.s32 s10, $0x1;
	s10 =	sld [smem:$0x3FB4];
	_ =	sdelay $0x3  }
0x34: {  	[smem:$0x3FB4] =	sst s10  }
0x35: {  	s10 =	sld [smem:$0x3FB3];
	_ =	sdelay $0x3  }
0x36: {  	p1 =	seq.s32 s10, $0x1;
	s10 =	sld [smem:$0x3FB4];
	_ =	sdelay $0x3  }
0x37: {  	[smem:$0x3FB4] =	sst s10  }
0x38: {  	s10 =	sld [smem:$0x3FB5]  }
0x39: {  	_ = 	snop;
	(pc) =	sbr.ind lr, $3  }
0x3a: {  	_ = 	snop  }
0x3b: {  	_ = 	snop  }
0x3c: {  	p2 =	seq.s32 s10, $0x1;
	s10 =	sld [smem:$0x3FB4]  }
0x3d: {  	_ =	shalt  }
0x3e: {  	_ =	shalt  }
0x3f: {  	_ =	shalt  }
0x40: {  	_ =	shalt  }
0x41: {  	_ =	shalt  }
0x42: {  	_ =	shalt  }
0x43: {  	_ =	shalt  }
0x44: {  	_ =	shalt  }
0x45: {  	_ =	shalt  }
0x46: {  	_ =	shalt  }
0x47: {  	_ =	shalt  }
0x48: {  	_ =	shalt  }
0x49: {  	_ =	shalt  }
0x4a: {  	_ =	shalt  }
0x4b: {  	_ =	shalt  }
0x4c: {  	_ =	shalt  }
0x4d: {  	_ =	shalt  }
0x4e: {  	_ =	shalt  }
0x4f: {  	_ =	shalt  }
0x50: {  	_ =	shalt  }
0x51: {  	_ =	shalt  }
0x52: {  	_ =	shalt  }
0x53: {  	_ =	shalt  }
0x54: {  	_ =	shalt  }
0x55: {  	_ =	shalt  }
0x56: {  	_ =	shalt  }
0x57: {  	_ =	shalt  }
0x58: {  	_ =	shalt  }
0x59: {  	_ =	shalt  }
0x5a: {  	_ =	shalt  }
0x5b: {  	_ =	shalt  }
0x5c: {  	_ =	shalt  }
0x5d: {  	_ =	shalt  }
0x5e: {  	_ =	shalt  }
0x5f: {  	_ =	shalt  }
0x60: {  	_ =	shalt  }
0x61: {  	_ =	shalt  }
0x62: {  	_ =	shalt  }
0x63: {  	_ =	shalt  }
0x64: {  	_ =	shalt  }
0x65: {  	_ =	shalt  }
0x66: {  	_ =	shalt  }
0x67: {  	_ =	shalt  }
0x68: {  	_ =	shalt  }
0x69: {  	_ =	shalt  }
0x6a: {  	_ =	shalt  }
0x6b: {  	_ =	shalt  }
0x6c: {  	_ =	shalt  }
0x6d: {  	_ =	shalt  }
0x6e: {  	_ =	shalt  }
0x6f: {  	_ =	shalt  }
0x70: {  	_ =	shalt  }
0x71: {  	_ =	shalt  }
0x72: {  	_ =	shalt  }
0x73: {  	_ =	shalt  }
0x74: {  	_ =	shalt  }
0x75: {  	_ =	shalt  }
0x76: {  	_ =	shalt  }
0x77: {  	_ =	shalt  }
0x78: {  	_ =	shalt  }
0x79: {  	_ =	shalt  }
0x7a: {  	_ =	shalt  }
0x7b: {  	_ =	shalt  }
0x7c: {  	_ =	shalt  }
0x7d: {  	_ =	shalt  }
0x7e: {  	_ =	shalt  }
0x7f: {  	_ =	shalt  }
0x80: {  	_ =	shalt  }
0x81: {  	_ =	shalt  }
0x82: {  	_ =	shalt  }
0x83: {  	_ =	shalt  }
0x84: {  	_ =	shalt  }
0x85: {  	_ =	shalt  }
0x86: {  	_ =	shalt  }
0x87: {  	_ =	shalt  }
.Lfunc_end0:
.L_simem_size_0:
called_computation_lowered:
.L_overlay_start_0:
0x88: {  	s2 =	sld [smem:$0x3FD9]  }
0x89: {  	s3 =	sld [smem:$0x3FFE];
	_ =	sdelay $0x1  }
0x8a: {  	s1 =	srdreg.scid  }
0x8b: {  	s0 =	sand.u32 $0x1, s1  }
0x8c: {  	s22 =	sshll.u32 s0, $0xA;
	s2 =	sadd.s32 s3, s2  }
0x8d: {  	s2 =	sadd.s32 s2, s22  }
0x8e: {  	[smem:$0x3FC0] =	sst s2  }
0x8f: {  	_ = 	snop  }
0x90: {  	s2 =	sld [smem:$0x3FC9]  }
0x91: {  	s3 =	sld [smem:$0x3FC8]  }
0x92: {  	s4 =	sld [smem:$0x3FC7]  }
0x93: {  	s5 =	sld [smem:$0x3FC6]  }
0x94: {  	s6 =	sld [smem:$0x3FC5]  }
0x95: {  	s10 =	sld [smem:$0x3FD0]  }
0x96: {  	s7 =	sld [smem:$0x3FC4]  }
0x97: {  	s8 =	sld [smem:$0x3FC3]  }
0x98: {  	s16 =	simm.s32 $0xA;
	s11 =	simm.s32 $0x10;
	s9 =	sld [smem:$0x3FC2]  }
0x99: {  	[smem:s11], [sflag:s16] =	dma.local [hbm:s10], $0x1  }
0x9a: {  	_ =	swait.eq [sflag:s16], $0x1  }
0x9b: {  	s10 =	sld [smem:$0x10]  }
0x9c: {  	s11 =	sld [smem:$0x11]  }
0x9d: {  	s12 =	sld [smem:$0x12]  }
0x9e: {  	s13 =	sld [smem:$0x13]  }
0x9f: {  	s14 =	sld [smem:$0x14]  }
0xa0: {  	s15 =	sld [smem:$0x15];
	[sflag:s16] =	ssyncset.done $0x0  }
0xa1: {  	s17 =	sld [smem:$0x16];
	[sflag:s16] =	ssyncadd.s32 $0xFFFFFFFF  }
0xa2: {  	s18 =	sld [smem:$0x17];
	(tm) =	ssettm $0x1  }
0xa3: {  	s23 =	sld [smem:$0x3FFB];
	_ =	sdelay $0x3  }
0xa4: {  	_ =	strace s23  }
0xa5: {  	s16 =	sld [smem:$0x3FFC];
	_ =	sdelay $0x3  }
0xa6: {  	_ =	strace s16  }
0xa7: {  	s16 =	sld [smem:$0x3FFD];
	_ =	sdelay $0x3  }
0xa8: {  	_ =	strace s16  }
0xa9: {  	_ =	strace $0x8FFFFFFF  }
0xaa: {  	s24 =	sld [smem:$0x3FDB];
	_ =	sdelay $0x1  }
0xab: {  	s19 =	simm.s32 $_scs_section_size  }
0xac: {  	s20 =	simm.s32 $_size__tile_task_arg_handler_lowered;
	s21 =	simm.s32 $_tile_task_arg_handler_lowered  }
0xad: {  	s28 =	simm.s32 $0x1BFF;
	s26 =	sshll.u32 s21, $0x1;
	s19 =	sadd.s32 s19, s24  }
0xae: {  	s25 =	sshll.u32 s20, $0x1;
	s22 =	simm.s32 $0x60;
	s20 =	sadd.s32 s26, s19  }
0xaf: {  	[timem:s22], [sflag:s28] =	dma.local [hbm:s20], s25  }
0xb0: {  	_ =	swait.ge [sflag:s28], s25  }
0xb1: {  	s29 =	simm.s32 $_tile_overlayer_lowered;
	s16 =	ssub.s32 $0x0, s25;
	[sflag:s28] =	ssyncset.done $0x0  }
0xb2: {  	s30 =	simm.s32 $_size__tile_overlayer_lowered;
	s20 =	sshll.u32 s29, $0x1;
	[sflag:s28] =	ssyncadd.s32 s16  }
0xb3: {  	s31 =	sshll.u32 s30, $0x1;
	s20 =	sadd.s32 s20, s19;
	s16 =	simm.s32 $0x0  }
0xb4: {  	[timem:s16], [sflag:s28] =	dma.local [hbm:s20], s31  }
0xb5: {  	_ =	swait.ge [sflag:s28], s31  }
0xb6: {  	s23 =	ssub.s32 $0x0, s31;
	[sflag:s28] =	ssyncset.done $0x0  }
0xb7: {  	[sflag:s28] =	ssyncadd.s32 s23;
	_ =	sdelay $0x1  }
0xb8: {  	s24 =	simm.s32 $0x1B8B  }
0xb9: {  	_ =	swait.ge [sflag:s24], $0x1  }
0xba: {  	[sflag:s24] =	ssyncset.done $0x0  }
0xbb: {  	s25 =	simm.s32 $0x1B8E;
	[sflag:s24] =	ssyncadd.s32 $0xFFFFFFFF  }
0xbc: {  	s26 =	simm.s32 $execute0_lowered;
	[smem:$0x3FD2] =	sst s25  }
0xbd: {  	s20 =	sshll.u32 s26, $0x1;
	_ =	strace $0x80000046;
	[dreg:$0x1] =	wrdreg $0xFFFFFFFF  }
0xbe: {  	s19 =	sadd.s32 s19, s20;
	s28 =	simm.s32 $_size_execute0_lowered;
	[dreg:$0x0] =	wrdreg $0x0  }
0xbf: {  	s20 =	sshll.u32 s28, $0x1;
	[dreg:$0x2] =	wrdreg s19  }
0xc0: {  	[dreg:$0x3] =	wrdreg s20  }
0xc1: {  	[dreg:$0x4] =	wrdreg $0xC0  }
0xc2: {  	_ =	task [dreg:s16], $0x5FFFF  }
0xc3: {  	[dreg:$0x1] =	wrdreg $0xFFFFFFFF  }
0xc4: {  	[dreg:$0x0] =	wrdreg $0x30  }
0xc5: {  	[dreg:$0x2] =	wrdreg $0x0  }
0xc6: {  	[dreg:$0x3] =	wrdreg s17  }
0xc7: {  	[dreg:$0x4] =	wrdreg s18  }
0xc8: {  	[dreg:$0x5] =	wrdreg $0x0  }
0xc9: {  	[dreg:$0x6] =	wrdreg $0xC400  }
0xca: {  	[dreg:$0x7] =	wrdreg $0x18800  }
0xcb: {  	[dreg:$0x8] =	wrdreg $0x24C00  }
0xcc: {  	[dreg:$0x9] =	wrdreg $0x9  }
0xcd: {  	_ =	task [dreg:s16], $0xAFFFF  }
0xce: {  	[dreg:$0x1] =	wrdreg $0xFFFFFFFF  }
0xcf: {  	[dreg:$0x0] =	wrdreg $0x60  }
0xd0: {  	[dreg:$0x2] =	wrdreg s2  }
0xd1: {  	[dreg:$0x3] =	wrdreg s3  }
0xd2: {  	[dreg:$0x4] =	wrdreg s4  }
0xd3: {  	[dreg:$0x5] =	wrdreg s5  }
0xd4: {  	[dreg:$0x6] =	wrdreg s6  }
0xd5: {  	[dreg:$0x7] =	wrdreg s7  }
0xd6: {  	[dreg:$0x8] =	wrdreg s8  }
0xd7: {  	[dreg:$0x9] =	wrdreg s9  }
0xd8: {  	[dreg:$0xa] =	wrdreg s10  }
0xd9: {  	[dreg:$0xb] =	wrdreg s11  }
0xda: {  	[dreg:$0xc] =	wrdreg s12  }
0xdb: {  	[dreg:$0xd] =	wrdreg s13  }
0xdc: {  	[dreg:$0xe] =	wrdreg s14  }
0xdd: {  	[dreg:$0xf] =	wrdreg s15  }
0xde: {  	_ =	task.clear_ibuf [dreg:s16], $0x10FFFF;
	_ =	strace $0x90000046  }
0xdf: {  	s29 =	simm.s32 $0x9;
	_ =	strace $0x80000048  }
0xe0: {  	_ =	swait.ge [sflag:s29], $0x1  }
0xe1: {  	[sflag:s29] =	ssyncadd.s32 $0xFFFFFFFF  }
0xe2: {  	_ =	strace $0x90000048  }
0xe3: {  	_ =	sfence  }
0xe4: {  	s30 =	sld [smem:$0x0];
	_ =	sdelay $0x2  }
0xe5: {  	s31 =	sshll.u32 s1, $0xD;
	s1 =	sshrl.u32 s1, $0x2  }
0xe6: {  	s3 =	sand.u32 $0x4000, s31;
	s1 =	sadd.s32 s1, s30  }
0xe7: {  	s0 =	sor.u32 s3, s0;
	s1 =	sshll.u32 s1, $0x11  }
0xe8: {  	s0 =	sor.u32 s1, s0  }
0xe9: {  	s0 =	sadd.s32 $0x8F2B, s0  }
0xea: {  	[sflag:s0] =	ssyncadd.remote.s32 $0x1  }
0xeb: {  	_ =	sfence.sel $0xFFFF  }
0xec: {  	[dreg:$0x0] =	wrdreg $0xFFFFFFFF;
	(pc) =	sbr.abs _section_cstart, $3  }
0xed: {  	[dreg:$0x1] =	wrdreg $0xFFFFFFFF  }
0xee: {  	_ =	task.clear_ibuf [dreg:s16], $0x2FFFF;
	_ =	strace $0x9FFFFFFF  }
0xef: {  	(tm) =	ssettm $0x7FFFFFFF  }
tec
_tile_task_arg_handler_lowered:
.L_overlay_start_1:
0x0: {  	(tag) =	ssettag $0x1  }
0x1: {  	s0 =	rddreg [dreg:$0x0]  }
0x2: {  	s1 =	rddreg [dreg:$0x1]  }
0x3: {  	s2 =	rddreg [dreg:$0x2]  }
0x4: {  	s3 =	rddreg [dreg:$0x3]  }
0x5: {  	s4 =	rddreg [dreg:$0x4]  }
0x6: {  	s5 =	rddreg [dreg:$0x5]  }
0x7: {  	s6 =	rddreg [dreg:$0x6]  }
0x8: {  	s7 =	rddreg [dreg:$0x7]  }
0x9: {  	s8 =	rddreg [dreg:$0x8]  }
0xa: {  	s9 =	rddreg [dreg:$0x9]  }
0xb: {  	s10 =	rddreg [dreg:$0xa]  }
0xc: {  	s11 =	rddreg [dreg:$0xb]  }
0xd: {  	s12 =	rddreg [dreg:$0xc]  }
0xe: {  	s13 =	rddreg [dreg:$0xd]  }
0xf: {  	[smem:s0] =	sst s1  }
0x10: {  	[smem:s0+$0x1] =	sst s2  }
0x11: {  	[smem:s0+$0x2] =	sst s3  }
0x12: {  	[smem:s0+$0x3] =	sst s4  }
0x13: {  	[smem:s0+$0x4] =	sst s5  }
0x14: {  	[smem:s0+$0x5] =	sst s6  }
0x15: {  	[smem:s0+$0x6] =	sst s7  }
0x16: {  	[smem:s0+$0x7] =	sst s8  }
0x17: {  	[smem:s0+$0x8] =	sst s9  }
0x18: {  	[smem:s0+$0x9] =	sst s10  }
0x19: {  	[smem:s0+$0xA] =	sst s11  }
0x1a: {  	[smem:s0+$0xB] =	sst s12  }
0x1b: {  	[smem:s0+$0xC] =	sst s13;
	_ =	shalt  }
.Lfunc_end2:
execute0_lowered:
.L_overlay_start_2:
0x1c: {  	(tag) =	ssettag $0x2  }
0x1d: {  	s0 =	rddreg [dreg:$0x0]  }
0x1e: {  	s1 =	rddreg [dreg:$0x1]  }
0x1f: {  	s2 =	rddreg [dreg:$0x2]  }
0x20: {  	s3 =	rddreg [dreg:$0x3]  }
0x21: {  	s4 =	rddreg [dreg:$0x4]  }
0x22: {  	s5 =	rddreg [dreg:$0x5]  }
0x23: {  	s7 =	rddreg [dreg:$0x6]  }
0x24: {  	s11 =	rddreg [dreg:$0x7];
	s6 =	simm.s32 $0x0  }
0x25: {  	[smem:$0x7FF] =	sst s6  }
0x26: {  	s8 =	sld [smem:$0x0]  }
0x27: {  	s12 =	srdreg.scid;
	s9 =	sld [smem:$0x2]  }
0x28: {  	s18 =	stileid.u32;
	s10 =	sld [smem:$0x3]  }
0x29: {  	s30 =	simm.s32 $0x5680;
	s31 =	simm.s32 $0x2;
	s13 =	sld [smem:$0x4]  }
0x2a: {  	s12 =	sand.u32 $0x1, s12;
	s22 =	smul.u32 $0x4A0, s18;
	s14 =	sld [smem:$0x5]  }
0x2b: {  	s15 =	ssub.s32 $0x2, s12;
	s17 =	sld [smem:$0x6];
	p0 =	seq.s32 s12, $0x1  }
0x2c: {  	s12 =	smul.u32 $0xC40, s18;
	s16 =	sshrl.u32 s15, $0x1;
	s18 =	sadd.s32 s3, s22  }
0x2d: {  	s19 =	sadd.s32 s4, s22;
	s20 =	sadd.s32 s5, s22;
	s21 =	sadd.s32 s7, s22  }
0x2e: {  	s29 =	ssub.s32 s15, s16;
	s15 =	sadd.s32 s0, s22;
	s16 =	sadd.s32 s1, s22  }
0x2f: {  	s28 =	sshrl.u32 s12, $0x3;
	s0 =	simm.s32 $0x5600;
	[dreg:$0xe] =	wrdreg s8  }
.Ltmp0:
0x30: {  	s1 =	simm.s32 $0x1;
	s8 =	sld [smem:$0x1];
	(pc) =	sbr.rel .LBB3_1-.Ltmp0, $4  }
0x31: {  	[dreg:$0xf] =	wrdreg s17;
	s17 =	sadd.s32 s2, s22;
	s22 =	sadd.s32 s11, s22  }
0x32: {  	s23 =	sadd.s32 s12, s9;
	s24 =	sadd.s32 s12, s10;
	s25 =	sadd.s32 s12, s13  }
0x33: {  	s26 =	sadd.s32 s12, s14;
	s29 =	smax.u32 s29, $0x1;
	s11 =	simm.s32 $0x3100  }
0x34: {  	v0 =	vimm.f32 $1.000000000e+00;
	v1 =	vimm.f32 $0.0e+00;
	s12 =	simm.s32 $0x80;
	s2 =	simm.s32 $0x0;
	_ =	strace $0x80000047  }
.LBB3_20:
0x35: {  	[sflag:s1] =	ssyncadd.s32 $0xFFFFFF80  }
0x36: {  	s4 =	rddreg [dreg:$0x8]  }
0x37: {  	s5 =	rddreg [dreg:$0x9]  }
0x38: {  	s7 =	rddreg [dreg:$0xa]  }
0x39: {  	s3 =	rddreg [dreg:$0xb]  }
.LBB3_38:
0x3a: {  	[bflag:$0x0] =	sbarrier.arrive $0xFFFF  }
0x3b: {  	[tilespmem:s30], [sflag:$0x2] =	stream.linear.gather [spmem:s23], $0xC40, $0x38;
	[tilespmem:$0x6300] =	vst v63  }
0x3c: {  	_ =	swait.ge [sflag:s31], $0xC40  }
0x3d: {  	[sflag:s31] =	ssyncset.done $0x0  }
0x3e: {  	s4 =	sadd.s32 s4, s28;
	[sflag:s31] =	ssyncadd.s32 $0xFFFFF3C0  }
0x3f: {  	[hbm4b:s4+s6] =	stream.linear.scatter [tilespmem:s30], [sflag:$0x2], $0xC40, $0x38;
	[tilespmem:$0x6300] =	vst v63  }
0x40: {  	_ =	swait.ge [sflag:s31], $0xC40  }
0x41: {  	[sflag:s31] =	ssyncset.done $0x0  }
0x42: {  	[sflag:s31] =	ssyncadd.s32 $0xFFFFF3C0  }
0x43: {  	[tilespmem:s30], [sflag:$0x2] =	stream.linear.gather [spmem:s24], $0xC40, $0x38;
	[tilespmem:$0x6300] =	vst v63  }
0x44: {  	_ =	swait.ge [sflag:s31], $0xC40  }
0x45: {  	[sflag:s31] =	ssyncset.done $0x0  }
0x46: {  	s5 =	sadd.s32 s5, s28;
	[sflag:s31] =	ssyncadd.s32 $0xFFFFF3C0  }
0x47: {  	[hbm4b:s5+s6] =	stream.linear.scatter [tilespmem:s30], [sflag:$0x2], $0xC40, $0x38;
	[tilespmem:$0x6300] =	vst v63  }
0x48: {  	_ =	swait.ge [sflag:s31], $0xC40  }
0x49: {  	[sflag:s31] =	ssyncset.done $0x0  }
0x4a: {  	[sflag:s31] =	ssyncadd.s32 $0xFFFFF3C0  }
0x4b: {  	[tilespmem:s30], [sflag:$0x2] =	stream.linear.gather [spmem:s25], $0xC40, $0x38;
	[tilespmem:$0x6300] =	vst v63  }
0x4c: {  	_ =	swait.ge [sflag:s31], $0xC40  }
0x4d: {  	[sflag:s31] =	ssyncset.done $0x0  }
0x4e: {  	s7 =	sadd.s32 s7, s28;
	[sflag:s31] =	ssyncadd.s32 $0xFFFFF3C0  }
0x4f: {  	[hbm4b:s7+s6] =	stream.linear.scatter [tilespmem:s30], [sflag:$0x2], $0xC40, $0x38;
	[tilespmem:$0x6300] =	vst v63  }
0x50: {  	_ =	swait.ge [sflag:s31], $0xC40  }
0x51: {  	[sflag:s31] =	ssyncset.done $0x0  }
0x52: {  	[sflag:s31] =	ssyncadd.s32 $0xFFFFF3C0  }
0x53: {  	[tilespmem:s30], [sflag:$0x2] =	stream.linear.gather [spmem:s26], $0xC40, $0x38;
	[tilespmem:$0x6300] =	vst v63  }
0x54: {  	s2 =	sadd.s32 $0x1, s2;
	_ =	swait.ge [sflag:s31], $0xC40  }
0x55: {  	p1 =	sne.s32 s2, s29;
	[sflag:s31] =	ssyncset.done $0x0  }
.Ltmp1:
0x56: {  	s3 =	sadd.s32 s3, s28;
	[sflag:s31] =	ssyncadd.s32 $0xFFFFF3C0;
	(pc) =	sbr.rel @!p1 .LBB3_39-.Ltmp1, $4  }
0x57: {  	[hbm4b:s3+s6] =	stream.linear.scatter [tilespmem:s30], [sflag:$0x2], $0xC40, $0x38;
	[tilespmem:$0x6300] =	vst v63  }
0x58: {  	_ =	swait.ge [sflag:s31], $0xC40  }
0x59: {  	[sflag:s31] =	ssyncset.done $0x0  }
0x5a: {  	[sflag:s31] =	ssyncadd.s32 $0xFFFFF3C0  }
.LBB3_1:
0x5b: {  	[tilespmem:$0x5600] =	vst v0  }
0x5c: {  	[tilespmem:$0x5610] =	vst v0  }
0x5d: {  	[tilespmem:$0x5620] =	vst v0  }
0x5e: {  	[tilespmem:$0x5630] =	vst v0  }
0x5f: {  	[tilespmem:$0x5640] =	vst v0  }
0x60: {  	[tilespmem:$0x5650] =	vst v0  }
0x61: {  	[tilespmem:$0x5660] =	vst v0  }
0x62: {  	[tilespmem:$0x5670] =	vst v0;
	s3 =	simm.s32 $0x40;
	s4 =	simm.s32 $0x0  }
.LBB3_2:
0x63: {  	p1 =	sne.s32 s3, $0x30C0;
	[tilespmem:s4+$0x5680] =	vst v1;
	s4 =	smov.u32 s3;
	s3 =	sadd.s32 $0x40, s3  }
.Ltmp2:
0x64: {  	(pc) =	sbr.rel @p1 .LBB3_2-.Ltmp2, $2  }
0x65: {  	_ =	sdelay $0x2  }
0x66: {  	s4 =	sshra.s32 s4, $0x2  }
0x67: {  	[tilespmem:s4+$0x5680] =	vst v1  }
0x68: {  	[spmem:s23] =	stream.linear.scatter [tilespmem:s30], [sflag:$0x2], $0xC40, $0x38;
	[tilespmem:$0x6300] =	vst v63  }
0x69: {  	_ =	swait.ge [sflag:s31], $0xC40  }
0x6a: {  	[sflag:s31] =	ssyncset.done $0x0  }
0x6b: {  	[sflag:s31] =	ssyncadd.s32 $0xFFFFF3C0  }
0x6c: {  	[spmem:s24] =	stream.linear.scatter [tilespmem:s30], [sflag:$0x2], $0xC40, $0x38;
	[tilespmem:$0x6300] =	vst v63  }
0x6d: {  	_ =	swait.ge [sflag:s31], $0xC40  }
0x6e: {  	[sflag:s31] =	ssyncset.done $0x0  }
0x6f: {  	[sflag:s31] =	ssyncadd.s32 $0xFFFFF3C0  }
0x70: {  	[spmem:s25] =	stream.linear.scatter [tilespmem:s30], [sflag:$0x2], $0xC40, $0x38;
	[tilespmem:$0x6300] =	vst v63  }
0x71: {  	_ =	swait.ge [sflag:s31], $0xC40  }
0x72: {  	[sflag:s31] =	ssyncset.done $0x0  }
0x73: {  	[sflag:s31] =	ssyncadd.s32 $0xFFFFF3C0  }
0x74: {  	[spmem:s26] =	stream.linear.scatter [tilespmem:s30], [sflag:$0x2], $0xC40, $0x38;
	[tilespmem:$0x6300] =	vst v63  }
.Ltmp3:
0x75: {  	_ =	swait.ge [sflag:s31], $0xC40;
	(pc) =	sbr.rel @!p0 .LBB3_4-.Ltmp3, $4  }
0x76: {  	[sflag:s31] =	ssyncset.done $0x0  }
0x77: {  	[sflag:s31] =	ssyncadd.s32 $0xFFFFF3C0  }
0x78: {  	[bflag:$0x0] =	sbarrier.arrive $0xFFFF  }
0x79: {  	s3 =	simm.s32 $0x0  }
0x7a: {  	[tilespmem:s11], [sflag:$0x2] =	stream.linear.gather [hbm4b:s19+s3], $0x2500, $0x38;
	[tilespmem:$0x6300] =	vst v63  }
0x7b: {  	_ =	swait.ge [sflag:s31], $0x2500  }
0x7c: {  	[sflag:s31] =	ssyncset.done $0x0  }
0x7d: {  	[sflag:s31] =	ssyncadd.s32 $0xFFFFDB00  }
.LBB3_22:
0x7e: {  	p1 =	sne.s32 s3, $0x9200  }
.Ltmp4:
0x7f: {  	_ = 	snop;
	(pc) =	sbr.rel @p1 .LBB3_22-.Ltmp4, $4  }
0x80: {  	_ = 	snop  }
0x81: {  	s4 =	sshra.s32 s3, $0x2  }
0x82: {  	s3 =	sadd.s32 $0x200, s3;
	s4 =	sadd.s32 $0x3100, s4  }
0x83: {  	[spmem:s9] =	stream.indirect.scatter.add.f32 [tilespmem:s0], [sflag:$0x1], $0x1, s4, s12, $0xb8;
	[tilespmem:$0x6300] =	vst v63  }
0x84: {  	_ =	swait.ge [sflag:s1], $0x80  }
0x85: {  	s3 =	simm.s32 $0x49;
	[sflag:s1] =	ssyncset.done $0x0  }
.LBB3_24:
0x86: {  	p1 =	sne.s32 s3, $0x1;
	s3 =	sadd.s32 $0xFFFFFFFF, s3;
	[sflag:s1] =	ssyncadd.s32 $0xFFFFFF80  }
.Ltmp5:
0x87: {  	(pc) =	sbr.rel @p1 .LBB3_24-.Ltmp5, $3  }
0x88: {  	_ =	sdelay $0x1  }
0x89: {  	_ =	swait.ge [sflag:s1], $0x80  }
0x8a: {  	[sflag:s1] =	ssyncset.done $0x0  }
0x8b: {  	[sflag:s1] =	ssyncadd.s32 $0xFFFFFF80;
	s3 =	simm.s32 $0x0  }
0x8c: {  	[tilespmem:s11], [sflag:$0x2] =	stream.linear.gather [hbm4b:s20+s3], $0x2500, $0x38;
	[tilespmem:$0x6300] =	vst v63  }
0x8d: {  	_ =	swait.ge [sflag:s31], $0x2500  }
0x8e: {  	[sflag:s31] =	ssyncset.done $0x0  }
0x8f: {  	[sflag:s31] =	ssyncadd.s32 $0xFFFFDB00  }
.LBB3_26:
0x90: {  	p1 =	sne.s32 s3, $0x9200  }
.Ltmp6:
0x91: {  	_ = 	snop;
	(pc) =	sbr.rel @p1 .LBB3_26-.Ltmp6, $4  }
0x92: {  	_ = 	snop  }
0x93: {  	s4 =	sshra.s32 s3, $0x2  }
0x94: {  	s3 =	sadd.s32 $0x200, s3;
	s4 =	sadd.s32 $0x3100, s4  }
0x95: {  	[spmem:s10] =	stream.indirect.scatter.add.f32 [tilespmem:s0], [sflag:$0x1], $0x1, s4, s12, $0xb8;
	[tilespmem:$0x6300] =	vst v63  }
0x96: {  	_ =	swait.ge [sflag:s1], $0x80  }
0x97: {  	s3 =	simm.s32 $0x49;
	[sflag:s1] =	ssyncset.done $0x0  }
.LBB3_28:
0x98: {  	p1 =	sne.s32 s3, $0x1;
	s3 =	sadd.s32 $0xFFFFFFFF, s3;
	[sflag:s1] =	ssyncadd.s32 $0xFFFFFF80  }
.Ltmp7:
0x99: {  	(pc) =	sbr.rel @p1 .LBB3_28-.Ltmp7, $3  }
0x9a: {  	_ =	sdelay $0x1  }
0x9b: {  	_ =	swait.ge [sflag:s1], $0x80  }
0x9c: {  	[sflag:s1] =	ssyncset.done $0x0  }
0x9d: {  	[sflag:s1] =	ssyncadd.s32 $0xFFFFFF80;
	s3 =	simm.s32 $0x0  }
0x9e: {  	[tilespmem:s11], [sflag:$0x2] =	stream.linear.gather [hbm4b:s21+s3], $0x2500, $0x38;
	[tilespmem:$0x6300] =	vst v63  }
0x9f: {  	_ =	swait.ge [sflag:s31], $0x2500  }
0xa0: {  	[sflag:s31] =	ssyncset.done $0x0  }
0xa1: {  	[sflag:s31] =	ssyncadd.s32 $0xFFFFDB00  }
.LBB3_30:
0xa2: {  	p1 =	sne.s32 s3, $0x9200  }
.Ltmp8:
0xa3: {  	_ = 	snop;
	(pc) =	sbr.rel @p1 .LBB3_30-.Ltmp8, $4  }
0xa4: {  	_ = 	snop  }
0xa5: {  	s4 =	sshra.s32 s3, $0x2  }
0xa6: {  	s3 =	sadd.s32 $0x200, s3;
	s4 =	sadd.s32 $0x3100, s4  }
0xa7: {  	[spmem:s13] =	stream.indirect.scatter.add.f32 [tilespmem:s0], [sflag:$0x1], $0x1, s4, s12, $0xb8;
	[tilespmem:$0x6300] =	vst v63  }
0xa8: {  	_ =	swait.ge [sflag:s1], $0x80  }
0xa9: {  	s3 =	simm.s32 $0x49;
	[sflag:s1] =	ssyncset.done $0x0  }
.LBB3_32:
0xaa: {  	p1 =	sne.s32 s3, $0x1;
	s3 =	sadd.s32 $0xFFFFFFFF, s3;
	[sflag:s1] =	ssyncadd.s32 $0xFFFFFF80  }
.Ltmp9:
0xab: {  	(pc) =	sbr.rel @p1 .LBB3_32-.Ltmp9, $3  }
0xac: {  	_ =	sdelay $0x1  }
0xad: {  	_ =	swait.ge [sflag:s1], $0x80  }
0xae: {  	[sflag:s1] =	ssyncset.done $0x0  }
0xaf: {  	[sflag:s1] =	ssyncadd.s32 $0xFFFFFF80;
	s3 =	simm.s32 $0x0  }
0xb0: {  	[tilespmem:s11], [sflag:$0x2] =	stream.linear.gather [hbm4b:s22+s3], $0x2500, $0x38;
	[tilespmem:$0x6300] =	vst v63  }
0xb1: {  	_ =	swait.ge [sflag:s31], $0x2500  }
0xb2: {  	[sflag:s31] =	ssyncset.done $0x0  }
0xb3: {  	[sflag:s31] =	ssyncadd.s32 $0xFFFFDB00  }
.LBB3_34:
0xb4: {  	p1 =	sne.s32 s3, $0x9200  }
.Ltmp10:
0xb5: {  	_ = 	snop;
	(pc) =	sbr.rel @p1 .LBB3_34-.Ltmp10, $4  }
0xb6: {  	_ = 	snop  }
0xb7: {  	s4 =	sshra.s32 s3, $0x2  }
0xb8: {  	s3 =	sadd.s32 $0x200, s3;
	s4 =	sadd.s32 $0x3100, s4  }
0xb9: {  	[spmem:s14] =	stream.indirect.scatter.add.f32 [tilespmem:s0], [sflag:$0x1], $0x1, s4, s12, $0xb8;
	[tilespmem:$0x6300] =	vst v63  }
0xba: {  	_ =	swait.ge [sflag:s1], $0x80  }
0xbb: {  	s3 =	simm.s32 $0x49;
	[sflag:s1] =	ssyncset.done $0x0  }
.LBB3_36:
0xbc: {  	p1 =	sne.s32 s3, $0x1;
	s3 =	sadd.s32 $0xFFFFFFFF, s3;
	[sflag:s1] =	ssyncadd.s32 $0xFFFFFF80  }
.Ltmp11:
0xbd: {  	(pc) =	sbr.rel @p1 .LBB3_36-.Ltmp11, $3  }
0xbe: {  	_ =	sdelay $0x1  }
0xbf: {  	_ =	swait.ge [sflag:s1], $0x80  }
0xc0: {  	[sflag:s1] =	ssyncset.done $0x0  }
.Ltmp12:
0xc1: {  	(pc) =	sbr.rel .LBB3_38-.Ltmp12, $4  }
0xc2: {  	_ = 	snop  }
0xc3: {  	[sflag:s1] =	ssyncadd.s32 $0xFFFFFF80;
	s7 =	rddreg [dreg:$0xe]  }
0xc4: {  	s4 =	rddreg [dreg:$0xc]  }
0xc5: {  	s3 =	smov.u32 s8;
	s5 =	rddreg [dreg:$0xd]  }
.LBB3_4:
0xc6: {  	[tilespmem:s11], [sflag:$0x2] =	stream.linear.gather [hbm4b:s15+s3], $0x2500, $0x38;
	[tilespmem:$0x6300] =	vst v63  }
0xc7: {  	_ =	swait.ge [sflag:s31], $0x2500  }
0xc8: {  	[sflag:s31] =	ssyncset.done $0x0  }
0xc9: {  	[sflag:s31] =	ssyncadd.s32 $0xFFFFDB00  }
.LBB3_5:
0xca: {  	p1 =	sne.s32 s3, $0x9200  }
.Ltmp13:
0xcb: {  	_ = 	snop;
	(pc) =	sbr.rel @p1 .LBB3_5-.Ltmp13, $4  }
0xcc: {  	_ = 	snop  }
0xcd: {  	s4 =	sshra.s32 s3, $0x2  }
0xce: {  	s3 =	sadd.s32 $0x200, s3;
	s4 =	sadd.s32 $0x3100, s4  }
0xcf: {  	[spmem:s9] =	stream.indirect.scatter.add.f32 [tilespmem:s0], [sflag:$0x1], $0x1, s4, s12, $0xb8;
	[tilespmem:$0x6300] =	vst v63  }
0xd0: {  	_ =	swait.ge [sflag:s1], $0x80  }
0xd1: {  	s3 =	simm.s32 $0x49;
	[sflag:s1] =	ssyncset.done $0x0  }
.LBB3_7:
0xd2: {  	p1 =	sne.s32 s3, $0x1;
	s3 =	sadd.s32 $0xFFFFFFFF, s3;
	[sflag:s1] =	ssyncadd.s32 $0xFFFFFF80  }
.Ltmp14:
0xd3: {  	(pc) =	sbr.rel @p1 .LBB3_7-.Ltmp14, $3  }
0xd4: {  	_ =	sdelay $0x1  }
0xd5: {  	_ =	swait.ge [sflag:s1], $0x80  }
0xd6: {  	[sflag:s1] =	ssyncset.done $0x0  }
0xd7: {  	[sflag:s1] =	ssyncadd.s32 $0xFFFFFF80;
	s3 =	simm.s32 $0x0  }
0xd8: {  	[tilespmem:s11], [sflag:$0x2] =	stream.linear.gather [hbm4b:s16+s3], $0x2500, $0x38;
	[tilespmem:$0x6300] =	vst v63  }
0xd9: {  	_ =	swait.ge [sflag:s31], $0x2500  }
0xda: {  	[sflag:s31] =	ssyncset.done $0x0  }
0xdb: {  	[sflag:s31] =	ssyncadd.s32 $0xFFFFDB00  }
.LBB3_9:
0xdc: {  	p1 =	sne.s32 s3, $0x9200  }
.Ltmp15:
0xdd: {  	_ = 	snop;
	(pc) =	sbr.rel @p1 .LBB3_9-.Ltmp15, $4  }
0xde: {  	_ = 	snop  }
0xdf: {  	s4 =	sshra.s32 s3, $0x2  }
0xe0: {  	s3 =	sadd.s32 $0x200, s3;
	s4 =	sadd.s32 $0x3100, s4  }
0xe1: {  	[spmem:s10] =	stream.indirect.scatter.add.f32 [tilespmem:s0], [sflag:$0x1], $0x1, s4, s12, $0xb8;
	[tilespmem:$0x6300] =	vst v63  }
0xe2: {  	_ =	swait.ge [sflag:s1], $0x80  }
0xe3: {  	s3 =	simm.s32 $0x49;
	[sflag:s1] =	ssyncset.done $0x0  }
.LBB3_11:
0xe4: {  	p1 =	sne.s32 s3, $0x1;
	s3 =	sadd.s32 $0xFFFFFFFF, s3;
	[sflag:s1] =	ssyncadd.s32 $0xFFFFFF80  }
.Ltmp16:
0xe5: {  	(pc) =	sbr.rel @p1 .LBB3_11-.Ltmp16, $3  }
0xe6: {  	_ =	sdelay $0x1  }
0xe7: {  	_ =	swait.ge [sflag:s1], $0x80  }
0xe8: {  	[sflag:s1] =	ssyncset.done $0x0  }
0xe9: {  	[sflag:s1] =	ssyncadd.s32 $0xFFFFFF80;
	s3 =	simm.s32 $0x0  }
0xea: {  	[tilespmem:s11], [sflag:$0x2] =	stream.linear.gather [hbm4b:s17+s3], $0x2500, $0x38;
	[tilespmem:$0x6300] =	vst v63  }
0xeb: {  	_ =	swait.ge [sflag:s31], $0x2500  }
0xec: {  	[sflag:s31] =	ssyncset.done $0x0  }
0xed: {  	[sflag:s31] =	ssyncadd.s32 $0xFFFFDB00  }
.LBB3_13:
0xee: {  	p1 =	sne.s32 s3, $0x9200  }
.Ltmp17:
0xef: {  	_ = 	snop;
	(pc) =	sbr.rel @p1 .LBB3_13-.Ltmp17, $4  }
0xf0: {  	_ = 	snop  }
0xf1: {  	s4 =	sshra.s32 s3, $0x2  }
0xf2: {  	s3 =	sadd.s32 $0x200, s3;
	s4 =	sadd.s32 $0x3100, s4  }
0xf3: {  	[spmem:s13] =	stream.indirect.scatter.add.f32 [tilespmem:s0], [sflag:$0x1], $0x1, s4, s12, $0xb8;
	[tilespmem:$0x6300] =	vst v63  }
0xf4: {  	_ =	swait.ge [sflag:s1], $0x80  }
0xf5: {  	s3 =	simm.s32 $0x49;
	[sflag:s1] =	ssyncset.done $0x0  }
.LBB3_15:
0xf6: {  	p1 =	sne.s32 s3, $0x1;
	s3 =	sadd.s32 $0xFFFFFFFF, s3;
	[sflag:s1] =	ssyncadd.s32 $0xFFFFFF80  }
.Ltmp18:
0xf7: {  	(pc) =	sbr.rel @p1 .LBB3_15-.Ltmp18, $3  }
0xf8: {  	_ =	sdelay $0x1  }
0xf9: {  	_ =	swait.ge [sflag:s1], $0x80  }
0xfa: {  	[sflag:s1] =	ssyncset.done $0x0  }
0xfb: {  	[sflag:s1] =	ssyncadd.s32 $0xFFFFFF80;
	s3 =	simm.s32 $0x0  }
0xfc: {  	[tilespmem:s11], [sflag:$0x2] =	stream.linear.gather [hbm4b:s18+s3], $0x2500, $0x38;
	[tilespmem:$0x6300] =	vst v63  }
0xfd: {  	_ =	swait.ge [sflag:s31], $0x2500  }
0xfe: {  	[sflag:s31] =	ssyncset.done $0x0  }
0xff: {  	[sflag:s31] =	ssyncadd.s32 $0xFFFFDB00  }
.LBB3_17:
0x100: {  	p1 =	sne.s32 s3, $0x9200  }
.Ltmp19:
0x101: {  	_ = 	snop;
	(pc) =	sbr.rel @p1 .LBB3_17-.Ltmp19, $4  }
0x102: {  	_ = 	snop  }
0x103: {  	s4 =	sshra.s32 s3, $0x2  }
0x104: {  	s3 =	sadd.s32 $0x200, s3;
	s4 =	sadd.s32 $0x3100, s4  }
0x105: {  	[spmem:s14] =	stream.indirect.scatter.add.f32 [tilespmem:s0], [sflag:$0x1], $0x1, s4, s12, $0xb8;
	[tilespmem:$0x6300] =	vst v63  }
0x106: {  	_ =	swait.ge [sflag:s1], $0x80  }
0x107: {  	s3 =	simm.s32 $0x49;
	[sflag:s1] =	ssyncset.done $0x0  }
.LBB3_19:
0x108: {  	p1 =	seq.s32 s3, $0x1;
	s3 =	sadd.s32 $0xFFFFFFFF, s3;
	[sflag:s1] =	ssyncadd.s32 $0xFFFFFF80  }
.Ltmp20:
0x109: {  	(pc) =	sbr.rel @!p1 .LBB3_19-.Ltmp20, $3  }
0x10a: {  	_ =	sdelay $0x1  }
0x10b: {  	_ =	swait.ge [sflag:s1], $0x80  }
0x10c: {  	[sflag:s1] =	ssyncset.done $0x0  }
.Ltmp21:
0x10d: {  	_ = 	snop;
	(pc) =	sbr.rel .LBB3_20-.Ltmp21, $1  }
0x10e: {  	_ =	sdelay $0x3  }
.LBB3_39:
0x10f: {  	_ =	sfence.sel $0x180000  }
0x110: {  	[bflag:$0x0] =	sbarrier.arrive $0xFFFF  }
0x111: {  	_ =	strace $0x90000047  }
0x112: {  	s0 =	stileid.u32;
	[bflag:$0x2] =	sbarrier.arrive $0xFFFF  }
0x113: {  	p0 =	sne.s32 s0, $0x0;
	s0 =	rddreg [dreg:$0xf]  }
0x114: {  	s0 =	sadd.s32 @!p0 $0x100000, s0  }
0x115: {  	[sflag:s0] =	ssyncadd.tile.s32 @!p0 $0x1;
	_ =	shalt  }
.Lfunc_end3:
_tile_overlayer_lowered:
.L_overlay_start_3:
0x116: {  	(tag) =	ssettag $0x3  }
0x117: {  	s0 =	rddreg [dreg:$0x0];
	s2 =	stileid.u32  }
0x118: {  	s1 =	rddreg [dreg:$0x1];
	p0 =	sne.s32 s2, $0x0  }
0x119: {  	s3 =	rddreg [dreg:$0x2];
	[bflag:$0x3] =	sbarrier.arrive $0xFFFF;
	s2 =	simm.s32 @!p0 $0x1C02  }
0x11a: {  	[timem:s3], [sflag:s2] =	dma.local @!p0 [hbm:s0], s1  }
0x11b: {  	s0 =	simm.s32 @!p0 $0x2  }
0x11c: {  	_ =	swait.ge @!p0 [sflag:s0], s1  }
0x11d: {  	s1 =	ssub.s32 @!p0 $0x0, s1;
	[sflag:s0] =	ssyncset.done @!p0 $0x0  }
0x11e: {  	[sflag:s0] =	ssyncadd.s32 @!p0 s1  }
0x11f: {  	[bflag:$0x3] =	sbarrier.arrive $0xFFFF  }
0x120: {  	_ =	shalt  }

</sc_bundles>
